<compile_context>
chip_gen: v7x
topology: tpu7x:2x2x1
jax: 0.10.2.dev20260603
libtpu: 0.0.44.dev20260713+nightly
codegen_flags: <defaults>
</compile_context>

<pallas_src>
import functools

import jax
import jax.numpy as jnp
from jax import lax
from jax.experimental import pallas as pl
from jax.experimental.pallas import tpu as pltpu
from jax.experimental.pallas import tpu_sc as plsc

N_NODES = 10000
N_EDGES = 320000
D_FEAT = 128

NUM_CORES = 2
NUM_SUBCORES = 16
NUM_WORKERS = NUM_CORES * NUM_SUBCORES

CHUNK = 128
NCHUNKS = N_EDGES // CHUNK
BASE_CH = NCHUNKS // NUM_WORKERS
HALF = 40
N_PAD = 10240
ROWS_PER_TILE = N_PAD // NUM_SUBCORES

_mesh = plsc.VectorSubcoreMesh(core_axis_name="c", subcore_axis_name="s")


@functools.partial(
    pl.kernel,
    mesh=_mesh,
    out_type=jax.ShapeDtypeStruct((NUM_CORES, N_PAD, D_FEAT), jnp.float32),
    scratch_types=[
        pltpu.VMEM((2 * HALF,), jnp.int32),
        pltpu.VMEM((HALF, CHUNK), jnp.int32),
        pltpu.VMEM((HALF, CHUNK), jnp.int32),
        pltpu.VMEM((HALF, CHUNK), jnp.int32),
        pltpu.VMEM((2, CHUNK, D_FEAT), jnp.float32),
        pltpu.VMEM_SHARED((N_PAD, D_FEAT), jnp.float32),
        pltpu.SemaphoreType.DMA,
        pltpu.SemaphoreType.DMA,
        pltpu.SemaphoreType.DMA,
        pltpu.SemaphoreType.DMA,
    ],
)
def _mp_scatter(src_hbm, dst_hbm, x_hbm, zeros_hbm, out_hbm,
                ilist_v, src0_v, src1_v, dst_v, rows_v, acc_sh,
                sem0, sem1, semz, semp):
    cid = lax.axis_index("c")
    sid = lax.axis_index("s")
    wid = sid * NUM_CORES + cid
    row0 = sid * ROWS_PER_TILE

    pltpu.async_copy(zeros_hbm, acc_sh.at[pl.ds(row0, ROWS_PER_TILE)], semz)

    lane = lax.iota(jnp.int32, 16)
    for g in range(2 * HALF // 16):
        ilist_v[pl.ds(16 * g, 16)] = jnp.minimum(
            wid + 32 * (16 * g) + 32 * lane, NCHUNKS - 1)

    sems = (sem0, sem1)

    def make_fire_drain(src_v):
        def fire(j, b):
            pltpu.async_copy(x_hbm.at[src_v.at[j]], rows_v.at[b], sems[b])

        def drain_scatter(j, b):
            pltpu.make_async_copy(
                x_hbm.at[src_v.at[j]], rows_v.at[b], sems[b]).wait()
            pltpu.sync_copy(rows_v.at[b], acc_sh.at[dst_v.at[j]], add=True)

        return fire, drain_scatter

    for h in range(2):
        src_v = (src0_v, src1_v)[h]
        fire, drain_scatter = make_fire_drain(src_v)
        if h == 0:
            pltpu.sync_copy(src_hbm.at[ilist_v.at[pl.ds(0, HALF)]], src0_v)
            pltpu.async_copy(
                src_hbm.at[ilist_v.at[pl.ds(HALF, HALF)]], src1_v, semp)
        else:
            pltpu.make_async_copy(
                src_hbm.at[ilist_v.at[pl.ds(HALF, HALF)]], src1_v, semp).wait()
        pltpu.sync_copy(dst_hbm.at[ilist_v.at[pl.ds(h * HALF, HALF)]], dst_v)

        fire(0, 0)

        if h == 0:
            pltpu.make_async_copy(
                zeros_hbm, acc_sh.at[pl.ds(row0, ROWS_PER_TILE)], semz).wait()
            plsc.subcore_barrier()
            npairs = HALF // 2
        else:
            npairs = (BASE_CH - HALF) // 2

        def body(g, carry):
            j0 = 2 * g
            fire(j0 + 1, 1)
            drain_scatter(j0, 0)

            @pl.when(g < npairs - 1)
            def _():
                fire(j0 + 2, 0)

            drain_scatter(j0 + 1, 1)
            return carry

        lax.fori_loop(0, npairs, body, 0)

    @pl.when(wid < NCHUNKS - BASE_CH * NUM_WORKERS)
    def _():
        fire(BASE_CH - HALF, 0)
        drain_scatter(BASE_CH - HALF, 0)

    plsc.subcore_barrier()

    pltpu.sync_copy(acc_sh.at[pl.ds(row0, ROWS_PER_TILE)],
                    out_hbm.at[cid, pl.ds(row0, ROWS_PER_TILE)])


def _add_body(a_ref, b_ref, o_ref):
    o_ref[...] = a_ref[0] + b_ref[0]


_ADD_BLOCK = 2000


def _combine(partial):
    return pl.pallas_call(
        _add_body,
        grid=(N_NODES // _ADD_BLOCK,),
        in_specs=[
            pl.BlockSpec((1, _ADD_BLOCK, D_FEAT), lambda i: (0, i, 0)),
            pl.BlockSpec((1, _ADD_BLOCK, D_FEAT), lambda i: (1, i, 0)),
        ],
        out_specs=pl.BlockSpec((_ADD_BLOCK, D_FEAT), lambda i: (i, 0)),
        out_shape=jax.ShapeDtypeStruct((N_NODES, D_FEAT), jnp.float32),
    )(partial, partial)


@jax.jit
def kernel(edge_index, x):
    dst = edge_index[0].reshape(NCHUNKS, CHUNK)
    src = edge_index[1].reshape(NCHUNKS, CHUNK)
    zeros = jnp.zeros((ROWS_PER_TILE, D_FEAT), jnp.float32)
    partial = _mp_scatter(src, dst, x, zeros)
    return _combine(partial)

# --- scband reference (transcript-rebuilt; emitter-appended) ---
"""Pipeline reference for scband-message-passing-67886253080943 (READ-ONLY COPY).

The authoritative reference and input builder live on the scoring server;
editing this copy changes nothing except your own understanding.
"""

import jax, jax.numpy as jnp
import numpy as np

N_NODES = 10000
N_EDGES = 320000
D_FEAT = 128

def setup_inputs(seed: int = 0) -> dict:
    key = jax.random.key(seed)
    k1, k2 = jax.random.split(key)
    edge_index = jax.random.randint(k1, (2, N_EDGES), 0, N_NODES, dtype=jnp.int64 if jax.config.jax_enable_x64 else jnp.int32).astype(jnp.int32)
    x = jax.random.normal(k2, (N_NODES, D_FEAT), dtype=jnp.float32)
    return {"edge_index": edge_index, "x": x}

def reference(edge_index, x):
    # MessagePassing base class with aggr='add':
    # message(x_j) = x_j  -> gather source features at edge_index[1]
    # scatter_('add', out, edge_index[0], dim_size=N) -> segment_sum over dst nodes
    # update(aggr_out) = aggr_out
    dst = edge_index[0]
    src = edge_index[1]
    messages = jnp.take(x, src, axis=0)
    out = jax.ops.segment_sum(messages, dst, num_segments=x.shape[0])
    return out

if __name__ == "__main__":
    import jax
    _d = setup_inputs()
    print(jax.jit(kernel)(*tuple(_d.values())))

</pallas_src>

<mosaic_0001>
#map = affine_map<(d0, d1) -> (0, 0)>
#map1 = affine_map<(d0, d1) -> (0, 0, 0)>
module attributes {stable_mosaic.version = 14 : i64} {
  func.func @_mp_scatter(%arg0: i32, %arg1: i32, %arg2: memref<2500x128xi32, #tpu.memory_space<hbm>>, %arg3: memref<2500x128xi32, #tpu.memory_space<hbm>>, %arg4: memref<10000x128xf32, #tpu.memory_space<hbm>>, %arg5: memref<640x128xf32, #tpu.memory_space<hbm>>, %arg6: memref<2x10240x128xf32, #tpu.memory_space<hbm>>, %arg7: memref<80xi32, #tpu.memory_space<vmem>>, %arg8: memref<40x128xi32, #tpu.memory_space<vmem>>, %arg9: memref<40x128xi32, #tpu.memory_space<vmem>>, %arg10: memref<40x128xi32, #tpu.memory_space<vmem>>, %arg11: memref<2x128x128xf32, #tpu.memory_space<vmem>>, %arg12: memref<10240x128xf32, #tpu.memory_space<vmem_shared>>, %arg13: memref<!tpu.dma_semaphore, #tpu.memory_space<semaphore_mem>>, %arg14: memref<!tpu.dma_semaphore, #tpu.memory_space<semaphore_mem>>, %arg15: memref<!tpu.dma_semaphore, #tpu.memory_space<semaphore_mem>>, %arg16: memref<!tpu.dma_semaphore, #tpu.memory_space<semaphore_mem>>) attributes {dimension_semantics = [#tpu.dimension_semantics<core_parallel>, #tpu.dimension_semantics<subcore_parallel>], iteration_bounds = array<i64: 2, 16>, scalar_prefetch = 0 : i64, scratch_operands = 10 : i64, tpu.core_type = #tpu.core_type<sc_vector_subcore>, window_params = [{transform_indices = #map}, {transform_indices = #map}, {transform_indices = #map}, {transform_indices = #map}, {transform_indices = #map1}]} {
    %mul3A = arith.constant 2 : i32
    %mul3A_0 = arith.muli %arg1, %mul3A : i32
    %add3A = arith.addi %mul3A_0, %arg0 : i32
    %mul3A_1 = arith.constant 640 : i32
    %mul3A_2 = arith.muli %arg1, %mul3A_1 : i32
    %dma_start3A = arith.constant 0 : i32
    %dma_start3A_3 = tpu.memref_slice %arg12[%mul3A_2, %dma_start3A] : memref<10240x128xf32, #tpu.memory_space<vmem_shared>> -> memref<640x128xf32, #tpu.memory_space<vmem_shared>>
    tpu.enqueue_dma source(%arg5 : memref<640x128xf32, #tpu.memory_space<hbm>>) target(%dma_start3A_3 : memref<640x128xf32, #tpu.memory_space<vmem_shared>>) target_semaphore(%arg15 : memref<!tpu.dma_semaphore, #tpu.memory_space<semaphore_mem>>)
    %iota3A = tpu.iota {dimensions = array<i32: 0>} : vector<16xi32>
    %add3A_4 = arith.constant 0 : i32
    %add3A_5 = arith.addi %add3A, %add3A_4 : i32
    %mul3A_6 = arith.constant 32 : i32
    %mul3A_7 = vector.broadcast %mul3A_6 : i32 to vector<16xi32>
    %mul3A_8 = arith.muli %mul3A_7, %iota3A : vector<16xi32>
    %add3A_9 = vector.broadcast %add3A_5 : i32 to vector<16xi32>
    %add3A_10 = arith.addi %add3A_9, %mul3A_8 : vector<16xi32>
    %min3A = arith.constant 2499 : i32
    %min3A_11 = vector.broadcast %min3A : i32 to vector<16xi32>
    %min3A_12 = arith.minsi %add3A_10, %min3A_11 : vector<16xi32>
    %swap3A = arith.constant 0 : index
    %swap3A_13 = tpu.vector_load %arg7[%swap3A] {strides = array<i32>} : memref<80xi32, #tpu.memory_space<vmem>>, vector<16xi32>,
    %swap3A_14 = vector.shape_cast %swap3A_13 : vector<16xi32> to vector<16xi32>
    %swap3A_15 = vector.shape_cast %min3A_12 : vector<16xi32> to vector<16xi32>
    tpu.vector_store %arg7[%swap3A], %swap3A_15 {strides = array<i32>} : memref<80xi32, #tpu.memory_space<vmem>>, vector<16xi32>,
    %add3A_16 = arith.constant 512 : i32
    %add3A_17 = arith.addi %add3A, %add3A_16 : i32
    %mul3A_18 = arith.constant 32 : i32
    %mul3A_19 = vector.broadcast %mul3A_18 : i32 to vector<16xi32>
    %mul3A_20 = arith.muli %mul3A_19, %iota3A : vector<16xi32>
    %add3A_21 = vector.broadcast %add3A_17 : i32 to vector<16xi32>
    %add3A_22 = arith.addi %add3A_21, %mul3A_20 : vector<16xi32>
    %min3A_23 = arith.constant 2499 : i32
    %min3A_24 = vector.broadcast %min3A_23 : i32 to vector<16xi32>
    %min3A_25 = arith.minsi %add3A_22, %min3A_24 : vector<16xi32>
    %swap3A_26 = arith.constant 16 : index
    %swap3A_27 = tpu.vector_load %arg7[%swap3A_26] {strides = array<i32>} : memref<80xi32, #tpu.memory_space<vmem>>, vector<16xi32>,
    %swap3A_28 = vector.shape_cast %swap3A_27 : vector<16xi32> to vector<16xi32>
    %swap3A_29 = vector.shape_cast %min3A_25 : vector<16xi32> to vector<16xi32>
    tpu.vector_store %arg7[%swap3A_26], %swap3A_29 {strides = array<i32>} : memref<80xi32, #tpu.memory_space<vmem>>, vector<16xi32>,
    %add3A_30 = arith.constant 1024 : i32
    %add3A_31 = arith.addi %add3A, %add3A_30 : i32
    %mul3A_32 = arith.constant 32 : i32
    %mul3A_33 = vector.broadcast %mul3A_32 : i32 to vector<16xi32>
    %mul3A_34 = arith.muli %mul3A_33, %iota3A : vector<16xi32>
    %add3A_35 = vector.broadcast %add3A_31 : i32 to vector<16xi32>
    %add3A_36 = arith.addi %add3A_35, %mul3A_34 : vector<16xi32>
    %min3A_37 = arith.constant 2499 : i32
    %min3A_38 = vector.broadcast %min3A_37 : i32 to vector<16xi32>
    %min3A_39 = arith.minsi %add3A_36, %min3A_38 : vector<16xi32>
    %swap3A_40 = arith.constant 32 : index
    %swap3A_41 = tpu.vector_load %arg7[%swap3A_40] {strides = array<i32>} : memref<80xi32, #tpu.memory_space<vmem>>, vector<16xi32>,
    %swap3A_42 = vector.shape_cast %swap3A_41 : vector<16xi32> to vector<16xi32>
    %swap3A_43 = vector.shape_cast %min3A_39 : vector<16xi32> to vector<16xi32>
    tpu.vector_store %arg7[%swap3A_40], %swap3A_43 {strides = array<i32>} : memref<80xi32, #tpu.memory_space<vmem>>, vector<16xi32>,
    %add3A_44 = arith.constant 1536 : i32
    %add3A_45 = arith.addi %add3A, %add3A_44 : i32
    %mul3A_46 = arith.constant 32 : i32
    %mul3A_47 = vector.broadcast %mul3A_46 : i32 to vector<16xi32>
    %mul3A_48 = arith.muli %mul3A_47, %iota3A : vector<16xi32>
    %add3A_49 = vector.broadcast %add3A_45 : i32 to vector<16xi32>
    %add3A_50 = arith.addi %add3A_49, %mul3A_48 : vector<16xi32>
    %min3A_51 = arith.constant 2499 : i32
    %min3A_52 = vector.broadcast %min3A_51 : i32 to vector<16xi32>
    %min3A_53 = arith.minsi %add3A_50, %min3A_52 : vector<16xi32>
    %swap3A_54 = arith.constant 48 : index
    %swap3A_55 = tpu.vector_load %arg7[%swap3A_54] {strides = array<i32>} : memref<80xi32, #tpu.memory_space<vmem>>, vector<16xi32>,
    %swap3A_56 = vector.shape_cast %swap3A_55 : vector<16xi32> to vector<16xi32>
    %swap3A_57 = vector.shape_cast %min3A_53 : vector<16xi32> to vector<16xi32>
    tpu.vector_store %arg7[%swap3A_54], %swap3A_57 {strides = array<i32>} : memref<80xi32, #tpu.memory_space<vmem>>, vector<16xi32>,
    %add3A_58 = arith.constant 2048 : i32
    %add3A_59 = arith.addi %add3A, %add3A_58 : i32
    %mul3A_60 = arith.constant 32 : i32
    %mul3A_61 = vector.broadcast %mul3A_60 : i32 to vector<16xi32>
    %mul3A_62 = arith.muli %mul3A_61, %iota3A : vector<16xi32>
    %add3A_63 = vector.broadcast %add3A_59 : i32 to vector<16xi32>
    %add3A_64 = arith.addi %add3A_63, %mul3A_62 : vector<16xi32>
    %min3A_65 = arith.constant 2499 : i32
    %min3A_66 = vector.broadcast %min3A_65 : i32 to vector<16xi32>
    %min3A_67 = arith.minsi %add3A_64, %min3A_66 : vector<16xi32>
    %swap3A_68 = arith.constant 64 : index
    %swap3A_69 = tpu.vector_load %arg7[%swap3A_68] {strides = array<i32>} : memref<80xi32, #tpu.memory_space<vmem>>, vector<16xi32>,
    %swap3A_70 = vector.shape_cast %swap3A_69 : vector<16xi32> to vector<16xi32>
    %swap3A_71 = vector.shape_cast %min3A_67 : vector<16xi32> to vector<16xi32>
    tpu.vector_store %arg7[%swap3A_68], %swap3A_71 {strides = array<i32>} : memref<80xi32, #tpu.memory_space<vmem>>, vector<16xi32>,
    "tpu.region"() ({
      %run_scoped3A = tpu.sem_alloc : memref<!tpu.dma_semaphore, #tpu.memory_space<semaphore_mem>>
      %dma_start3A_121 = arith.constant 0 : i32
      %dma_start3A_122 = tpu.memref_slice %arg7[%dma_start3A_121] : memref<80xi32, #tpu.memory_space<vmem>> -> memref<40xi32, #tpu.memory_space<vmem>>
      %dma_start3A_123 = arith.constant 0 : i32
      %dma_start3A_124 = arith.constant 0 : i32
      %dma_start3A_125 = tpu.memref_slice %arg2[%dma_start3A_123, %dma_start3A_124] : memref<2500x128xi32, #tpu.memory_space<hbm>> -> memref<2500x128xi32, #tpu.memory_space<hbm>>
      tpu.enqueue_indirect_dma source(%dma_start3A_125 : memref<2500x128xi32, #tpu.memory_space<hbm>>) target(%arg8 : memref<40x128xi32, #tpu.memory_space<vmem>>) offsets(%dma_start3A_122 : memref<40xi32, #tpu.memory_space<vmem>>) semaphore(%run_scoped3A : memref<!tpu.dma_semaphore, #tpu.memory_space<semaphore_mem>>)
      %dma_wait3A_126 = arith.constant 0 : i32
      %dma_wait3A_127 = tpu.memref_slice %arg7[%dma_wait3A_126] : memref<80xi32, #tpu.memory_space<vmem>> -> memref<40xi32, #tpu.memory_space<vmem>>
      %dma_wait3A_128 = arith.constant 0 : i32
      %dma_wait3A_129 = arith.constant 0 : i32
      %dma_wait3A_130 = tpu.memref_slice %arg2[%dma_wait3A_128, %dma_wait3A_129] : memref<2500x128xi32, #tpu.memory_space<hbm>> -> memref<2500x128xi32, #tpu.memory_space<hbm>>
      tpu.wait_indirect_dma semaphore(%run_scoped3A : memref<!tpu.dma_semaphore, #tpu.memory_space<semaphore_mem>>) src(%dma_wait3A_130 : memref<2500x128xi32, #tpu.memory_space<hbm>>) dst(%arg8 : memref<40x128xi32, #tpu.memory_space<vmem>>)
      tpu.yield
    }) : () -> ()
    %dma_start3A_72 = arith.constant 40 : i32
    %dma_start3A_73 = tpu.memref_slice %arg7[%dma_start3A_72] : memref<80xi32, #tpu.memory_space<vmem>> -> memref<40xi32, #tpu.memory_space<vmem>>
    %dma_start3A_74 = arith.constant 0 : i32
    %dma_start3A_75 = arith.constant 0 : i32
    %dma_start3A_76 = tpu.memref_slice %arg2[%dma_start3A_74, %dma_start3A_75] : memref<2500x128xi32, #tpu.memory_space<hbm>> -> memref<2500x128xi32, #tpu.memory_space<hbm>>
    tpu.enqueue_indirect_dma source(%dma_start3A_76 : memref<2500x128xi32, #tpu.memory_space<hbm>>) target(%arg9 : memref<40x128xi32, #tpu.memory_space<vmem>>) offsets(%dma_start3A_73 : memref<40xi32, #tpu.memory_space<vmem>>) semaphore(%arg16 : memref<!tpu.dma_semaphore, #tpu.memory_space<semaphore_mem>>)
    "tpu.region"() ({
      %run_scoped3A = tpu.sem_alloc : memref<!tpu.dma_semaphore, #tpu.memory_space<semaphore_mem>>
      %dma_start3A_121 = arith.constant 0 : i32
      %dma_start3A_122 = tpu.memref_slice %arg7[%dma_start3A_121] : memref<80xi32, #tpu.memory_space<vmem>> -> memref<40xi32, #tpu.memory_space<vmem>>
      %dma_start3A_123 = arith.constant 0 : i32
      %dma_start3A_124 = arith.constant 0 : i32
      %dma_start3A_125 = tpu.memref_slice %arg3[%dma_start3A_123, %dma_start3A_124] : memref<2500x128xi32, #tpu.memory_space<hbm>> -> memref<2500x128xi32, #tpu.memory_space<hbm>>
      tpu.enqueue_indirect_dma source(%dma_start3A_125 : memref<2500x128xi32, #tpu.memory_space<hbm>>) target(%arg10 : memref<40x128xi32, #tpu.memory_space<vmem>>) offsets(%dma_start3A_122 : memref<40xi32, #tpu.memory_space<vmem>>) semaphore(%run_scoped3A : memref<!tpu.dma_semaphore, #tpu.memory_space<semaphore_mem>>)
      %dma_wait3A_126 = arith.constant 0 : i32
      %dma_wait3A_127 = tpu.memref_slice %arg7[%dma_wait3A_126] : memref<80xi32, #tpu.memory_space<vmem>> -> memref<40xi32, #tpu.memory_space<vmem>>
      %dma_wait3A_128 = arith.constant 0 : i32
      %dma_wait3A_129 = arith.constant 0 : i32
      %dma_wait3A_130 = tpu.memref_slice %arg3[%dma_wait3A_128, %dma_wait3A_129] : memref<2500x128xi32, #tpu.memory_space<hbm>> -> memref<2500x128xi32, #tpu.memory_space<hbm>>
      tpu.wait_indirect_dma semaphore(%run_scoped3A : memref<!tpu.dma_semaphore, #tpu.memory_space<semaphore_mem>>) src(%dma_wait3A_130 : memref<2500x128xi32, #tpu.memory_space<hbm>>) dst(%arg10 : memref<40x128xi32, #tpu.memory_space<vmem>>)
      tpu.yield
    }) : () -> ()
    %dma_start3A_77 = arith.constant 0 : i32
    %dma_start3A_78 = arith.constant 0 : i32
    %dma_start3A_79 = arith.constant 0 : i32
    %dma_start3A_80 = arith.constant 0 : i32
    %dma_start3A_81 = tpu.memref_slice %arg11[%dma_start3A_78, %dma_start3A_79, %dma_start3A_80] : memref<2x128x128xf32, #tpu.memory_space<vmem>> -> memref<1x128x128xf32, #tpu.memory_space<vmem>>
    %dma_start3A_82 = tpu.memref_squeeze %dma_start3A_81 : memref<1x128x128xf32, #tpu.memory_space<vmem>> -> memref<128x128xf32, #tpu.memory_space<vmem>>
    %dma_start3A_83 = arith.constant 0 : i32
    %dma_start3A_84 = tpu.memref_slice %arg8[%dma_start3A_77, %dma_start3A_83] : memref<40x128xi32, #tpu.memory_space<vmem>> -> memref<1x128xi32, #tpu.memory_space<vmem>>
    %dma_start3A_85 = tpu.memref_squeeze %dma_start3A_84 : memref<1x128xi32, #tpu.memory_space<vmem>> -> memref<128xi32, #tpu.memory_space<vmem>>
    %dma_start3A_86 = arith.constant 0 : i32
    %dma_start3A_87 = arith.constant 0 : i32
    %dma_start3A_88 = tpu.memref_slice %arg4[%dma_start3A_86, %dma_start3A_87] : memref<10000x128xf32, #tpu.memory_space<hbm>> -> memref<10000x128xf32, #tpu.memory_space<hbm>>
    tpu.enqueue_indirect_dma source(%dma_start3A_88 : memref<10000x128xf32, #tpu.memory_space<hbm>>) target(%dma_start3A_82 : memref<128x128xf32, #tpu.memory_space<vmem>>) offsets(%dma_start3A_85 : memref<128xi32, #tpu.memory_space<vmem>>) semaphore(%arg13 : memref<!tpu.dma_semaphore, #tpu.memory_space<semaphore_mem>>)
    %dma_wait3A = arith.constant 0 : i32
    %dma_wait3A_89 = tpu.memref_slice %arg12[%mul3A_2, %dma_wait3A] : memref<10240x128xf32, #tpu.memory_space<vmem_shared>> -> memref<640x128xf32, #tpu.memory_space<vmem_shared>>
    tpu.wait_dma2 semaphore(%arg15 : memref<!tpu.dma_semaphore, #tpu.memory_space<semaphore_mem>>) src(%arg5 : memref<640x128xf32, #tpu.memory_space<hbm>>) dst(%dma_wait3A_89 : memref<640x128xf32, #tpu.memory_space<vmem_shared>>)
    %barrier3A = arith.constant 0 : index
    tpu.barrier barrier_id(%barrier3A)
    %scan3A = arith.constant 0 : i32
    %scan3A_90 = arith.constant 0 : i32
    %scan3A_91 = arith.constant 20 : i32
    %scan3A_92 = arith.addi %scan3A_90, %scan3A_91 : i32
    %scan3A_93 = arith.constant 1 : i32
    scf.for %scan3A_121 = %scan3A_90 to %scan3A_92 step %scan3A_93  : i32 {
      %mul3A_122 = arith.constant 2 : i32
      %mul3A_123 = arith.muli %mul3A_122, %scan3A_121 : i32
      %add3A_124 = arith.constant 1 : i32
      %add3A_125 = arith.addi %mul3A_123, %add3A_124 : i32
      %dma_start3A_126 = arith.constant 1 : i32
      %dma_start3A_127 = arith.constant 0 : i32
      %dma_start3A_128 = arith.constant 0 : i32
      %dma_start3A_129 = tpu.memref_slice %arg11[%dma_start3A_126, %dma_start3A_127, %dma_start3A_128] : memref<2x128x128xf32, #tpu.memory_space<vmem>> -> memref<1x128x128xf32, #tpu.memory_space<vmem>>
      %dma_start3A_130 = tpu.memref_squeeze %dma_start3A_129 : memref<1x128x128xf32, #tpu.memory_space<vmem>> -> memref<128x128xf32, #tpu.memory_space<vmem>>
      %dma_start3A_131 = arith.constant 0 : i32
      %dma_start3A_132 = tpu.memref_slice %arg8[%add3A_125, %dma_start3A_131] : memref<40x128xi32, #tpu.memory_space<vmem>> -> memref<1x128xi32, #tpu.memory_space<vmem>>
      %dma_start3A_133 = tpu.memref_squeeze %dma_start3A_132 : memref<1x128xi32, #tpu.memory_space<vmem>> -> memref<128xi32, #tpu.memory_space<vmem>>
      %dma_start3A_134 = arith.constant 0 : i32
      %dma_start3A_135 = arith.constant 0 : i32
      %dma_start3A_136 = tpu.memref_slice %arg4[%dma_start3A_134, %dma_start3A_135] : memref<10000x128xf32, #tpu.memory_space<hbm>> -> memref<10000x128xf32, #tpu.memory_space<hbm>>
      tpu.enqueue_indirect_dma source(%dma_start3A_136 : memref<10000x128xf32, #tpu.memory_space<hbm>>) target(%dma_start3A_130 : memref<128x128xf32, #tpu.memory_space<vmem>>) offsets(%dma_start3A_133 : memref<128xi32, #tpu.memory_space<vmem>>) semaphore(%arg14 : memref<!tpu.dma_semaphore, #tpu.memory_space<semaphore_mem>>)
      %dma_wait3A_137 = arith.constant 0 : i32
      %dma_wait3A_138 = arith.constant 0 : i32
      %dma_wait3A_139 = arith.constant 0 : i32
      %dma_wait3A_140 = tpu.memref_slice %arg11[%dma_wait3A_137, %dma_wait3A_138, %dma_wait3A_139] : memref<2x128x128xf32, #tpu.memory_space<vmem>> -> memref<1x128x128xf32, #tpu.memory_space<vmem>>
      %dma_wait3A_141 = tpu.memref_squeeze %dma_wait3A_140 : memref<1x128x128xf32, #tpu.memory_space<vmem>> -> memref<128x128xf32, #tpu.memory_space<vmem>>
      %dma_wait3A_142 = arith.constant 0 : i32
      %dma_wait3A_143 = tpu.memref_slice %arg8[%mul3A_123, %dma_wait3A_142] : memref<40x128xi32, #tpu.memory_space<vmem>> -> memref<1x128xi32, #tpu.memory_space<vmem>>
      %dma_wait3A_144 = tpu.memref_squeeze %dma_wait3A_143 : memref<1x128xi32, #tpu.memory_space<vmem>> -> memref<128xi32, #tpu.memory_space<vmem>>
      %dma_wait3A_145 = arith.constant 0 : i32
      %dma_wait3A_146 = arith.constant 0 : i32
      %dma_wait3A_147 = tpu.memref_slice %arg4[%dma_wait3A_145, %dma_wait3A_146] : memref<10000x128xf32, #tpu.memory_space<hbm>> -> memref<10000x128xf32, #tpu.memory_space<hbm>>
      tpu.wait_indirect_dma semaphore(%arg13 : memref<!tpu.dma_semaphore, #tpu.memory_space<semaphore_mem>>) src(%dma_wait3A_147 : memref<10000x128xf32, #tpu.memory_space<hbm>>) dst(%dma_wait3A_141 : memref<128x128xf32, #tpu.memory_space<vmem>>)
      %run_scoped3A = arith.constant 0 : i32
      "tpu.region"() ({
        %run_scoped3A_167 = tpu.sem_alloc : memref<!tpu.dma_semaphore, #tpu.memory_space<semaphore_mem>>
        %dma_start3A_168 = arith.constant 0 : i32
        %dma_start3A_169 = arith.constant 0 : i32
        %dma_start3A_170 = tpu.memref_slice %arg11[%run_scoped3A, %dma_start3A_168, %dma_start3A_169] : memref<2x128x128xf32, #tpu.memory_space<vmem>> -> memref<1x128x128xf32, #tpu.memory_space<vmem>>
        %dma_start3A_171 = tpu.memref_squeeze %dma_start3A_170 : memref<1x128x128xf32, #tpu.memory_space<vmem>> -> memref<128x128xf32, #tpu.memory_space<vmem>>
        %dma_start3A_172 = arith.constant 0 : i32
        %dma_start3A_173 = tpu.memref_slice %arg10[%mul3A_123, %dma_start3A_172] : memref<40x128xi32, #tpu.memory_space<vmem>> -> memref<1x128xi32, #tpu.memory_space<vmem>>
        %dma_start3A_174 = tpu.memref_squeeze %dma_start3A_173 : memref<1x128xi32, #tpu.memory_space<vmem>> -> memref<128xi32, #tpu.memory_space<vmem>>
        %dma_start3A_175 = arith.constant 0 : i32
        %dma_start3A_176 = arith.constant 0 : i32
        %dma_start3A_177 = tpu.memref_slice %arg12[%dma_start3A_175, %dma_start3A_176] : memref<10240x128xf32, #tpu.memory_space<vmem_shared>> -> memref<10240x128xf32, #tpu.memory_space<vmem_shared>>
        tpu.enqueue_indirect_dma source(%dma_start3A_171 : memref<128x128xf32, #tpu.memory_space<vmem>>) target(%dma_start3A_177 : memref<10240x128xf32, #tpu.memory_space<vmem_shared>>) offsets(%dma_start3A_174 : memref<128xi32, #tpu.memory_space<vmem>>) semaphore(%run_scoped3A_167 : memref<!tpu.dma_semaphore, #tpu.memory_space<semaphore_mem>>) {add = true}
        %dma_wait3A_178 = arith.constant 0 : i32
        %dma_wait3A_179 = arith.constant 0 : i32
        %dma_wait3A_180 = tpu.memref_slice %arg11[%run_scoped3A, %dma_wait3A_178, %dma_wait3A_179] : memref<2x128x128xf32, #tpu.memory_space<vmem>> -> memref<1x128x128xf32, #tpu.memory_space<vmem>>
        %dma_wait3A_181 = tpu.memref_squeeze %dma_wait3A_180 : memref<1x128x128xf32, #tpu.memory_space<vmem>> -> memref<128x128xf32, #tpu.memory_space<vmem>>
        %dma_wait3A_182 = arith.constant 0 : i32
        %dma_wait3A_183 = tpu.memref_slice %arg10[%mul3A_123, %dma_wait3A_182] : memref<40x128xi32, #tpu.memory_space<vmem>> -> memref<1x128xi32, #tpu.memory_space<vmem>>
        %dma_wait3A_184 = tpu.memref_squeeze %dma_wait3A_183 : memref<1x128xi32, #tpu.memory_space<vmem>> -> memref<128xi32, #tpu.memory_space<vmem>>
        %dma_wait3A_185 = arith.constant 0 : i32
        %dma_wait3A_186 = arith.constant 0 : i32
        %dma_wait3A_187 = tpu.memref_slice %arg12[%dma_wait3A_185, %dma_wait3A_186] : memref<10240x128xf32, #tpu.memory_space<vmem_shared>> -> memref<10240x128xf32, #tpu.memory_space<vmem_shared>>
        tpu.wait_indirect_dma semaphore(%run_scoped3A_167 : memref<!tpu.dma_semaphore, #tpu.memory_space<semaphore_mem>>) src(%dma_wait3A_181 : memref<128x128xf32, #tpu.memory_space<vmem>>) dst(%dma_wait3A_187 : memref<10240x128xf32, #tpu.memory_space<vmem_shared>>)
        tpu.yield
      }) : () -> ()
      %lt3A_148 = arith.constant 19 : i32
      %lt3A_149 = arith.cmpi slt, %scan3A_121, %lt3A_148 : i32
      %convert_element_type3A_150 = arith.extui %lt3A_149 : i1 to i32
      %cond3A_151 = arith.constant 0 : i32
      %cond3A_152 = arith.cmpi ne, %convert_element_type3A_150, %cond3A_151 : i32
      scf.if %cond3A_152 {
        %add3A_167 = arith.constant 2 : i32
        %add3A_168 = arith.addi %mul3A_123, %add3A_167 : i32
        %dma_start3A_169 = arith.constant 0 : i32
        %dma_start3A_170 = arith.constant 0 : i32
        %dma_start3A_171 = arith.constant 0 : i32
        %dma_start3A_172 = tpu.memref_slice %arg11[%dma_start3A_169, %dma_start3A_170, %dma_start3A_171] : memref<2x128x128xf32, #tpu.memory_space<vmem>> -> memref<1x128x128xf32, #tpu.memory_space<vmem>>
        %dma_start3A_173 = tpu.memref_squeeze %dma_start3A_172 : memref<1x128x128xf32, #tpu.memory_space<vmem>> -> memref<128x128xf32, #tpu.memory_space<vmem>>
        %dma_start3A_174 = arith.constant 0 : i32
        %dma_start3A_175 = tpu.memref_slice %arg8[%add3A_168, %dma_start3A_174] : memref<40x128xi32, #tpu.memory_space<vmem>> -> memref<1x128xi32, #tpu.memory_space<vmem>>
        %dma_start3A_176 = tpu.memref_squeeze %dma_start3A_175 : memref<1x128xi32, #tpu.memory_space<vmem>> -> memref<128xi32, #tpu.memory_space<vmem>>
        %dma_start3A_177 = arith.constant 0 : i32
        %dma_start3A_178 = arith.constant 0 : i32
        %dma_start3A_179 = tpu.memref_slice %arg4[%dma_start3A_177, %dma_start3A_178] : memref<10000x128xf32, #tpu.memory_space<hbm>> -> memref<10000x128xf32, #tpu.memory_space<hbm>>
        tpu.enqueue_indirect_dma source(%dma_start3A_179 : memref<10000x128xf32, #tpu.memory_space<hbm>>) target(%dma_start3A_173 : memref<128x128xf32, #tpu.memory_space<vmem>>) offsets(%dma_start3A_176 : memref<128xi32, #tpu.memory_space<vmem>>) semaphore(%arg13 : memref<!tpu.dma_semaphore, #tpu.memory_space<semaphore_mem>>)
      } else {
      }
      %add3A_153 = arith.constant 1 : i32
      %add3A_154 = arith.addi %mul3A_123, %add3A_153 : i32
      %dma_wait3A_155 = arith.constant 1 : i32
      %dma_wait3A_156 = arith.constant 0 : i32
      %dma_wait3A_157 = arith.constant 0 : i32
      %dma_wait3A_158 = tpu.memref_slice %arg11[%dma_wait3A_155, %dma_wait3A_156, %dma_wait3A_157] : memref<2x128x128xf32, #tpu.memory_space<vmem>> -> memref<1x128x128xf32, #tpu.memory_space<vmem>>
      %dma_wait3A_159 = tpu.memref_squeeze %dma_wait3A_158 : memref<1x128x128xf32, #tpu.memory_space<vmem>> -> memref<128x128xf32, #tpu.memory_space<vmem>>
      %dma_wait3A_160 = arith.constant 0 : i32
      %dma_wait3A_161 = tpu.memref_slice %arg8[%add3A_154, %dma_wait3A_160] : memref<40x128xi32, #tpu.memory_space<vmem>> -> memref<1x128xi32, #tpu.memory_space<vmem>>
      %dma_wait3A_162 = tpu.memref_squeeze %dma_wait3A_161 : memref<1x128xi32, #tpu.memory_space<vmem>> -> memref<128xi32, #tpu.memory_space<vmem>>
      %dma_wait3A_163 = arith.constant 0 : i32
      %dma_wait3A_164 = arith.constant 0 : i32
      %dma_wait3A_165 = tpu.memref_slice %arg4[%dma_wait3A_163, %dma_wait3A_164] : memref<10000x128xf32, #tpu.memory_space<hbm>> -> memref<10000x128xf32, #tpu.memory_space<hbm>>
      tpu.wait_indirect_dma semaphore(%arg14 : memref<!tpu.dma_semaphore, #tpu.memory_space<semaphore_mem>>) src(%dma_wait3A_165 : memref<10000x128xf32, #tpu.memory_space<hbm>>) dst(%dma_wait3A_159 : memref<128x128xf32, #tpu.memory_space<vmem>>)
      %run_scoped3A_166 = arith.constant 1 : i32
      "tpu.region"() ({
        %run_scoped3A_167 = tpu.sem_alloc : memref<!tpu.dma_semaphore, #tpu.memory_space<semaphore_mem>>
        %dma_start3A_168 = arith.constant 0 : i32
        %dma_start3A_169 = arith.constant 0 : i32
        %dma_start3A_170 = tpu.memref_slice %arg11[%run_scoped3A_166, %dma_start3A_168, %dma_start3A_169] : memref<2x128x128xf32, #tpu.memory_space<vmem>> -> memref<1x128x128xf32, #tpu.memory_space<vmem>>
        %dma_start3A_171 = tpu.memref_squeeze %dma_start3A_170 : memref<1x128x128xf32, #tpu.memory_space<vmem>> -> memref<128x128xf32, #tpu.memory_space<vmem>>
        %dma_start3A_172 = arith.constant 0 : i32
        %dma_start3A_173 = tpu.memref_slice %arg10[%add3A_154, %dma_start3A_172] : memref<40x128xi32, #tpu.memory_space<vmem>> -> memref<1x128xi32, #tpu.memory_space<vmem>>
        %dma_start3A_174 = tpu.memref_squeeze %dma_start3A_173 : memref<1x128xi32, #tpu.memory_space<vmem>> -> memref<128xi32, #tpu.memory_space<vmem>>
        %dma_start3A_175 = arith.constant 0 : i32
        %dma_start3A_176 = arith.constant 0 : i32
        %dma_start3A_177 = tpu.memref_slice %arg12[%dma_start3A_175, %dma_start3A_176] : memref<10240x128xf32, #tpu.memory_space<vmem_shared>> -> memref<10240x128xf32, #tpu.memory_space<vmem_shared>>
        tpu.enqueue_indirect_dma source(%dma_start3A_171 : memref<128x128xf32, #tpu.memory_space<vmem>>) target(%dma_start3A_177 : memref<10240x128xf32, #tpu.memory_space<vmem_shared>>) offsets(%dma_start3A_174 : memref<128xi32, #tpu.memory_space<vmem>>) semaphore(%run_scoped3A_167 : memref<!tpu.dma_semaphore, #tpu.memory_space<semaphore_mem>>) {add = true}
        %dma_wait3A_178 = arith.constant 0 : i32
        %dma_wait3A_179 = arith.constant 0 : i32
        %dma_wait3A_180 = tpu.memref_slice %arg11[%run_scoped3A_166, %dma_wait3A_178, %dma_wait3A_179] : memref<2x128x128xf32, #tpu.memory_space<vmem>> -> memref<1x128x128xf32, #tpu.memory_space<vmem>>
        %dma_wait3A_181 = tpu.memref_squeeze %dma_wait3A_180 : memref<1x128x128xf32, #tpu.memory_space<vmem>> -> memref<128x128xf32, #tpu.memory_space<vmem>>
        %dma_wait3A_182 = arith.constant 0 : i32
        %dma_wait3A_183 = tpu.memref_slice %arg10[%add3A_154, %dma_wait3A_182] : memref<40x128xi32, #tpu.memory_space<vmem>> -> memref<1x128xi32, #tpu.memory_space<vmem>>
        %dma_wait3A_184 = tpu.memref_squeeze %dma_wait3A_183 : memref<1x128xi32, #tpu.memory_space<vmem>> -> memref<128xi32, #tpu.memory_space<vmem>>
        %dma_wait3A_185 = arith.constant 0 : i32
        %dma_wait3A_186 = arith.constant 0 : i32
        %dma_wait3A_187 = tpu.memref_slice %arg12[%dma_wait3A_185, %dma_wait3A_186] : memref<10240x128xf32, #tpu.memory_space<vmem_shared>> -> memref<10240x128xf32, #tpu.memory_space<vmem_shared>>
        tpu.wait_indirect_dma semaphore(%run_scoped3A_167 : memref<!tpu.dma_semaphore, #tpu.memory_space<semaphore_mem>>) src(%dma_wait3A_181 : memref<128x128xf32, #tpu.memory_space<vmem>>) dst(%dma_wait3A_187 : memref<10240x128xf32, #tpu.memory_space<vmem_shared>>)
        tpu.yield
      }) : () -> ()
    }
    %scan3A_94 = arith.constant 20 : i32
    %dma_wait3A_95 = arith.constant 40 : i32
    %dma_wait3A_96 = tpu.memref_slice %arg7[%dma_wait3A_95] : memref<80xi32, #tpu.memory_space<vmem>> -> memref<40xi32, #tpu.memory_space<vmem>>
    %dma_wait3A_97 = arith.constant 0 : i32
    %dma_wait3A_98 = arith.constant 0 : i32
    %dma_wait3A_99 = tpu.memref_slice %arg2[%dma_wait3A_97, %dma_wait3A_98] : memref<2500x128xi32, #tpu.memory_space<hbm>> -> memref<2500x128xi32, #tpu.memory_space<hbm>>
    tpu.wait_indirect_dma semaphore(%arg16 : memref<!tpu.dma_semaphore, #tpu.memory_space<semaphore_mem>>) src(%dma_wait3A_99 : memref<2500x128xi32, #tpu.memory_space<hbm>>) dst(%arg9 : memref<40x128xi32, #tpu.memory_space<vmem>>)
    "tpu.region"() ({
      %run_scoped3A = tpu.sem_alloc : memref<!tpu.dma_semaphore, #tpu.memory_space<semaphore_mem>>
      %dma_start3A_121 = arith.constant 40 : i32
      %dma_start3A_122 = tpu.memref_slice %arg7[%dma_start3A_121] : memref<80xi32, #tpu.memory_space<vmem>> -> memref<40xi32, #tpu.memory_space<vmem>>
      %dma_start3A_123 = arith.constant 0 : i32
      %dma_start3A_124 = arith.constant 0 : i32
      %dma_start3A_125 = tpu.memref_slice %arg3[%dma_start3A_123, %dma_start3A_124] : memref<2500x128xi32, #tpu.memory_space<hbm>> -> memref<2500x128xi32, #tpu.memory_space<hbm>>
      tpu.enqueue_indirect_dma source(%dma_start3A_125 : memref<2500x128xi32, #tpu.memory_space<hbm>>) target(%arg10 : memref<40x128xi32, #tpu.memory_space<vmem>>) offsets(%dma_start3A_122 : memref<40xi32, #tpu.memory_space<vmem>>) semaphore(%run_scoped3A : memref<!tpu.dma_semaphore, #tpu.memory_space<semaphore_mem>>)
      %dma_wait3A_126 = arith.constant 40 : i32
      %dma_wait3A_127 = tpu.memref_slice %arg7[%dma_wait3A_126] : memref<80xi32, #tpu.memory_space<vmem>> -> memref<40xi32, #tpu.memory_space<vmem>>
      %dma_wait3A_128 = arith.constant 0 : i32
      %dma_wait3A_129 = arith.constant 0 : i32
      %dma_wait3A_130 = tpu.memref_slice %arg3[%dma_wait3A_128, %dma_wait3A_129] : memref<2500x128xi32, #tpu.memory_space<hbm>> -> memref<2500x128xi32, #tpu.memory_space<hbm>>
      tpu.wait_indirect_dma semaphore(%run_scoped3A : memref<!tpu.dma_semaphore, #tpu.memory_space<semaphore_mem>>) src(%dma_wait3A_130 : memref<2500x128xi32, #tpu.memory_space<hbm>>) dst(%arg10 : memref<40x128xi32, #tpu.memory_space<vmem>>)
      tpu.yield
    }) : () -> ()
    %dma_start3A_100 = arith.constant 0 : i32
    %dma_start3A_101 = arith.constant 0 : i32
    %dma_start3A_102 = arith.constant 0 : i32
    %dma_start3A_103 = arith.constant 0 : i32
    %dma_start3A_104 = tpu.memref_slice %arg11[%dma_start3A_101, %dma_start3A_102, %dma_start3A_103] : memref<2x128x128xf32, #tpu.memory_space<vmem>> -> memref<1x128x128xf32, #tpu.memory_space<vmem>>
    %dma_start3A_105 = tpu.memref_squeeze %dma_start3A_104 : memref<1x128x128xf32, #tpu.memory_space<vmem>> -> memref<128x128xf32, #tpu.memory_space<vmem>>
    %dma_start3A_106 = arith.constant 0 : i32
    %dma_start3A_107 = tpu.memref_slice %arg9[%dma_start3A_100, %dma_start3A_106] : memref<40x128xi32, #tpu.memory_space<vmem>> -> memref<1x128xi32, #tpu.memory_space<vmem>>
    %dma_start3A_108 = tpu.memref_squeeze %dma_start3A_107 : memref<1x128xi32, #tpu.memory_space<vmem>> -> memref<128xi32, #tpu.memory_space<vmem>>
    %dma_start3A_109 = arith.constant 0 : i32
    %dma_start3A_110 = arith.constant 0 : i32
    %dma_start3A_111 = tpu.memref_slice %arg4[%dma_start3A_109, %dma_start3A_110] : memref<10000x128xf32, #tpu.memory_space<hbm>> -> memref<10000x128xf32, #tpu.memory_space<hbm>>
    tpu.enqueue_indirect_dma source(%dma_start3A_111 : memref<10000x128xf32, #tpu.memory_space<hbm>>) target(%dma_start3A_105 : memref<128x128xf32, #tpu.memory_space<vmem>>) offsets(%dma_start3A_108 : memref<128xi32, #tpu.memory_space<vmem>>) semaphore(%arg13 : memref<!tpu.dma_semaphore, #tpu.memory_space<semaphore_mem>>)
    %scan3A_112 = arith.constant 0 : i32
    %scan3A_113 = arith.constant 0 : i32
    %scan3A_114 = arith.constant 19 : i32
    %scan3A_115 = arith.addi %scan3A_113, %scan3A_114 : i32
    %scan3A_116 = arith.constant 1 : i32
    scf.for %scan3A_121 = %scan3A_113 to %scan3A_115 step %scan3A_116  : i32 {
      %mul3A_122 = arith.constant 2 : i32
      %mul3A_123 = arith.muli %mul3A_122, %scan3A_121 : i32
      %add3A_124 = arith.constant 1 : i32
      %add3A_125 = arith.addi %mul3A_123, %add3A_124 : i32
      %dma_start3A_126 = arith.constant 1 : i32
      %dma_start3A_127 = arith.constant 0 : i32
      %dma_start3A_128 = arith.constant 0 : i32
      %dma_start3A_129 = tpu.memref_slice %arg11[%dma_start3A_126, %dma_start3A_127, %dma_start3A_128] : memref<2x128x128xf32, #tpu.memory_space<vmem>> -> memref<1x128x128xf32, #tpu.memory_space<vmem>>
      %dma_start3A_130 = tpu.memref_squeeze %dma_start3A_129 : memref<1x128x128xf32, #tpu.memory_space<vmem>> -> memref<128x128xf32, #tpu.memory_space<vmem>>
      %dma_start3A_131 = arith.constant 0 : i32
      %dma_start3A_132 = tpu.memref_slice %arg9[%add3A_125, %dma_start3A_131] : memref<40x128xi32, #tpu.memory_space<vmem>> -> memref<1x128xi32, #tpu.memory_space<vmem>>
      %dma_start3A_133 = tpu.memref_squeeze %dma_start3A_132 : memref<1x128xi32, #tpu.memory_space<vmem>> -> memref<128xi32, #tpu.memory_space<vmem>>
      %dma_start3A_134 = arith.constant 0 : i32
      %dma_start3A_135 = arith.constant 0 : i32
      %dma_start3A_136 = tpu.memref_slice %arg4[%dma_start3A_134, %dma_start3A_135] : memref<10000x128xf32, #tpu.memory_space<hbm>> -> memref<10000x128xf32, #tpu.memory_space<hbm>>
      tpu.enqueue_indirect_dma source(%dma_start3A_136 : memref<10000x128xf32, #tpu.memory_space<hbm>>) target(%dma_start3A_130 : memref<128x128xf32, #tpu.memory_space<vmem>>) offsets(%dma_start3A_133 : memref<128xi32, #tpu.memory_space<vmem>>) semaphore(%arg14 : memref<!tpu.dma_semaphore, #tpu.memory_space<semaphore_mem>>)
      %dma_wait3A_137 = arith.constant 0 : i32
      %dma_wait3A_138 = arith.constant 0 : i32
      %dma_wait3A_139 = arith.constant 0 : i32
      %dma_wait3A_140 = tpu.memref_slice %arg11[%dma_wait3A_137, %dma_wait3A_138, %dma_wait3A_139] : memref<2x128x128xf32, #tpu.memory_space<vmem>> -> memref<1x128x128xf32, #tpu.memory_space<vmem>>
      %dma_wait3A_141 = tpu.memref_squeeze %dma_wait3A_140 : memref<1x128x128xf32, #tpu.memory_space<vmem>> -> memref<128x128xf32, #tpu.memory_space<vmem>>
      %dma_wait3A_142 = arith.constant 0 : i32
      %dma_wait3A_143 = tpu.memref_slice %arg9[%mul3A_123, %dma_wait3A_142] : memref<40x128xi32, #tpu.memory_space<vmem>> -> memref<1x128xi32, #tpu.memory_space<vmem>>
      %dma_wait3A_144 = tpu.memref_squeeze %dma_wait3A_143 : memref<1x128xi32, #tpu.memory_space<vmem>> -> memref<128xi32, #tpu.memory_space<vmem>>
      %dma_wait3A_145 = arith.constant 0 : i32
      %dma_wait3A_146 = arith.constant 0 : i32
      %dma_wait3A_147 = tpu.memref_slice %arg4[%dma_wait3A_145, %dma_wait3A_146] : memref<10000x128xf32, #tpu.memory_space<hbm>> -> memref<10000x128xf32, #tpu.memory_space<hbm>>
      tpu.wait_indirect_dma semaphore(%arg13 : memref<!tpu.dma_semaphore, #tpu.memory_space<semaphore_mem>>) src(%dma_wait3A_147 : memref<10000x128xf32, #tpu.memory_space<hbm>>) dst(%dma_wait3A_141 : memref<128x128xf32, #tpu.memory_space<vmem>>)
      %run_scoped3A = arith.constant 0 : i32
      "tpu.region"() ({
        %run_scoped3A_167 = tpu.sem_alloc : memref<!tpu.dma_semaphore, #tpu.memory_space<semaphore_mem>>
        %dma_start3A_168 = arith.constant 0 : i32
        %dma_start3A_169 = arith.constant 0 : i32
        %dma_start3A_170 = tpu.memref_slice %arg11[%run_scoped3A, %dma_start3A_168, %dma_start3A_169] : memref<2x128x128xf32, #tpu.memory_space<vmem>> -> memref<1x128x128xf32, #tpu.memory_space<vmem>>
        %dma_start3A_171 = tpu.memref_squeeze %dma_start3A_170 : memref<1x128x128xf32, #tpu.memory_space<vmem>> -> memref<128x128xf32, #tpu.memory_space<vmem>>
        %dma_start3A_172 = arith.constant 0 : i32
        %dma_start3A_173 = tpu.memref_slice %arg10[%mul3A_123, %dma_start3A_172] : memref<40x128xi32, #tpu.memory_space<vmem>> -> memref<1x128xi32, #tpu.memory_space<vmem>>
        %dma_start3A_174 = tpu.memref_squeeze %dma_start3A_173 : memref<1x128xi32, #tpu.memory_space<vmem>> -> memref<128xi32, #tpu.memory_space<vmem>>
        %dma_start3A_175 = arith.constant 0 : i32
        %dma_start3A_176 = arith.constant 0 : i32
        %dma_start3A_177 = tpu.memref_slice %arg12[%dma_start3A_175, %dma_start3A_176] : memref<10240x128xf32, #tpu.memory_space<vmem_shared>> -> memref<10240x128xf32, #tpu.memory_space<vmem_shared>>
        tpu.enqueue_indirect_dma source(%dma_start3A_171 : memref<128x128xf32, #tpu.memory_space<vmem>>) target(%dma_start3A_177 : memref<10240x128xf32, #tpu.memory_space<vmem_shared>>) offsets(%dma_start3A_174 : memref<128xi32, #tpu.memory_space<vmem>>) semaphore(%run_scoped3A_167 : memref<!tpu.dma_semaphore, #tpu.memory_space<semaphore_mem>>) {add = true}
        %dma_wait3A_178 = arith.constant 0 : i32
        %dma_wait3A_179 = arith.constant 0 : i32
        %dma_wait3A_180 = tpu.memref_slice %arg11[%run_scoped3A, %dma_wait3A_178, %dma_wait3A_179] : memref<2x128x128xf32, #tpu.memory_space<vmem>> -> memref<1x128x128xf32, #tpu.memory_space<vmem>>
        %dma_wait3A_181 = tpu.memref_squeeze %dma_wait3A_180 : memref<1x128x128xf32, #tpu.memory_space<vmem>> -> memref<128x128xf32, #tpu.memory_space<vmem>>
        %dma_wait3A_182 = arith.constant 0 : i32
        %dma_wait3A_183 = tpu.memref_slice %arg10[%mul3A_123, %dma_wait3A_182] : memref<40x128xi32, #tpu.memory_space<vmem>> -> memref<1x128xi32, #tpu.memory_space<vmem>>
        %dma_wait3A_184 = tpu.memref_squeeze %dma_wait3A_183 : memref<1x128xi32, #tpu.memory_space<vmem>> -> memref<128xi32, #tpu.memory_space<vmem>>
        %dma_wait3A_185 = arith.constant 0 : i32
        %dma_wait3A_186 = arith.constant 0 : i32
        %dma_wait3A_187 = tpu.memref_slice %arg12[%dma_wait3A_185, %dma_wait3A_186] : memref<10240x128xf32, #tpu.memory_space<vmem_shared>> -> memref<10240x128xf32, #tpu.memory_space<vmem_shared>>
        tpu.wait_indirect_dma semaphore(%run_scoped3A_167 : memref<!tpu.dma_semaphore, #tpu.memory_space<semaphore_mem>>) src(%dma_wait3A_181 : memref<128x128xf32, #tpu.memory_space<vmem>>) dst(%dma_wait3A_187 : memref<10240x128xf32, #tpu.memory_space<vmem_shared>>)
        tpu.yield
      }) : () -> ()
      %lt3A_148 = arith.constant 18 : i32
      %lt3A_149 = arith.cmpi slt, %scan3A_121, %lt3A_148 : i32
      %convert_element_type3A_150 = arith.extui %lt3A_149 : i1 to i32
      %cond3A_151 = arith.constant 0 : i32
      %cond3A_152 = arith.cmpi ne, %convert_element_type3A_150, %cond3A_151 : i32
      scf.if %cond3A_152 {
        %add3A_167 = arith.constant 2 : i32
        %add3A_168 = arith.addi %mul3A_123, %add3A_167 : i32
        %dma_start3A_169 = arith.constant 0 : i32
        %dma_start3A_170 = arith.constant 0 : i32
        %dma_start3A_171 = arith.constant 0 : i32
        %dma_start3A_172 = tpu.memref_slice %arg11[%dma_start3A_169, %dma_start3A_170, %dma_start3A_171] : memref<2x128x128xf32, #tpu.memory_space<vmem>> -> memref<1x128x128xf32, #tpu.memory_space<vmem>>
        %dma_start3A_173 = tpu.memref_squeeze %dma_start3A_172 : memref<1x128x128xf32, #tpu.memory_space<vmem>> -> memref<128x128xf32, #tpu.memory_space<vmem>>
        %dma_start3A_174 = arith.constant 0 : i32
        %dma_start3A_175 = tpu.memref_slice %arg9[%add3A_168, %dma_start3A_174] : memref<40x128xi32, #tpu.memory_space<vmem>> -> memref<1x128xi32, #tpu.memory_space<vmem>>
        %dma_start3A_176 = tpu.memref_squeeze %dma_start3A_175 : memref<1x128xi32, #tpu.memory_space<vmem>> -> memref<128xi32, #tpu.memory_space<vmem>>
        %dma_start3A_177 = arith.constant 0 : i32
        %dma_start3A_178 = arith.constant 0 : i32
        %dma_start3A_179 = tpu.memref_slice %arg4[%dma_start3A_177, %dma_start3A_178] : memref<10000x128xf32, #tpu.memory_space<hbm>> -> memref<10000x128xf32, #tpu.memory_space<hbm>>
        tpu.enqueue_indirect_dma source(%dma_start3A_179 : memref<10000x128xf32, #tpu.memory_space<hbm>>) target(%dma_start3A_173 : memref<128x128xf32, #tpu.memory_space<vmem>>) offsets(%dma_start3A_176 : memref<128xi32, #tpu.memory_space<vmem>>) semaphore(%arg13 : memref<!tpu.dma_semaphore, #tpu.memory_space<semaphore_mem>>)
      } else {
      }
      %add3A_153 = arith.constant 1 : i32
      %add3A_154 = arith.addi %mul3A_123, %add3A_153 : i32
      %dma_wait3A_155 = arith.constant 1 : i32
      %dma_wait3A_156 = arith.constant 0 : i32
      %dma_wait3A_157 = arith.constant 0 : i32
      %dma_wait3A_158 = tpu.memref_slice %arg11[%dma_wait3A_155, %dma_wait3A_156, %dma_wait3A_157] : memref<2x128x128xf32, #tpu.memory_space<vmem>> -> memref<1x128x128xf32, #tpu.memory_space<vmem>>
      %dma_wait3A_159 = tpu.memref_squeeze %dma_wait3A_158 : memref<1x128x128xf32, #tpu.memory_space<vmem>> -> memref<128x128xf32, #tpu.memory_space<vmem>>
      %dma_wait3A_160 = arith.constant 0 : i32
      %dma_wait3A_161 = tpu.memref_slice %arg9[%add3A_154, %dma_wait3A_160] : memref<40x128xi32, #tpu.memory_space<vmem>> -> memref<1x128xi32, #tpu.memory_space<vmem>>
      %dma_wait3A_162 = tpu.memref_squeeze %dma_wait3A_161 : memref<1x128xi32, #tpu.memory_space<vmem>> -> memref<128xi32, #tpu.memory_space<vmem>>
      %dma_wait3A_163 = arith.constant 0 : i32
      %dma_wait3A_164 = arith.constant 0 : i32
      %dma_wait3A_165 = tpu.memref_slice %arg4[%dma_wait3A_163, %dma_wait3A_164] : memref<10000x128xf32, #tpu.memory_space<hbm>> -> memref<10000x128xf32, #tpu.memory_space<hbm>>
      tpu.wait_indirect_dma semaphore(%arg14 : memref<!tpu.dma_semaphore, #tpu.memory_space<semaphore_mem>>) src(%dma_wait3A_165 : memref<10000x128xf32, #tpu.memory_space<hbm>>) dst(%dma_wait3A_159 : memref<128x128xf32, #tpu.memory_space<vmem>>)
      %run_scoped3A_166 = arith.constant 1 : i32
      "tpu.region"() ({
        %run_scoped3A_167 = tpu.sem_alloc : memref<!tpu.dma_semaphore, #tpu.memory_space<semaphore_mem>>
        %dma_start3A_168 = arith.constant 0 : i32
        %dma_start3A_169 = arith.constant 0 : i32
        %dma_start3A_170 = tpu.memref_slice %arg11[%run_scoped3A_166, %dma_start3A_168, %dma_start3A_169] : memref<2x128x128xf32, #tpu.memory_space<vmem>> -> memref<1x128x128xf32, #tpu.memory_space<vmem>>
        %dma_start3A_171 = tpu.memref_squeeze %dma_start3A_170 : memref<1x128x128xf32, #tpu.memory_space<vmem>> -> memref<128x128xf32, #tpu.memory_space<vmem>>
        %dma_start3A_172 = arith.constant 0 : i32
        %dma_start3A_173 = tpu.memref_slice %arg10[%add3A_154, %dma_start3A_172] : memref<40x128xi32, #tpu.memory_space<vmem>> -> memref<1x128xi32, #tpu.memory_space<vmem>>
        %dma_start3A_174 = tpu.memref_squeeze %dma_start3A_173 : memref<1x128xi32, #tpu.memory_space<vmem>> -> memref<128xi32, #tpu.memory_space<vmem>>
        %dma_start3A_175 = arith.constant 0 : i32
        %dma_start3A_176 = arith.constant 0 : i32
        %dma_start3A_177 = tpu.memref_slice %arg12[%dma_start3A_175, %dma_start3A_176] : memref<10240x128xf32, #tpu.memory_space<vmem_shared>> -> memref<10240x128xf32, #tpu.memory_space<vmem_shared>>
        tpu.enqueue_indirect_dma source(%dma_start3A_171 : memref<128x128xf32, #tpu.memory_space<vmem>>) target(%dma_start3A_177 : memref<10240x128xf32, #tpu.memory_space<vmem_shared>>) offsets(%dma_start3A_174 : memref<128xi32, #tpu.memory_space<vmem>>) semaphore(%run_scoped3A_167 : memref<!tpu.dma_semaphore, #tpu.memory_space<semaphore_mem>>) {add = true}
        %dma_wait3A_178 = arith.constant 0 : i32
        %dma_wait3A_179 = arith.constant 0 : i32
        %dma_wait3A_180 = tpu.memref_slice %arg11[%run_scoped3A_166, %dma_wait3A_178, %dma_wait3A_179] : memref<2x128x128xf32, #tpu.memory_space<vmem>> -> memref<1x128x128xf32, #tpu.memory_space<vmem>>
        %dma_wait3A_181 = tpu.memref_squeeze %dma_wait3A_180 : memref<1x128x128xf32, #tpu.memory_space<vmem>> -> memref<128x128xf32, #tpu.memory_space<vmem>>
        %dma_wait3A_182 = arith.constant 0 : i32
        %dma_wait3A_183 = tpu.memref_slice %arg10[%add3A_154, %dma_wait3A_182] : memref<40x128xi32, #tpu.memory_space<vmem>> -> memref<1x128xi32, #tpu.memory_space<vmem>>
        %dma_wait3A_184 = tpu.memref_squeeze %dma_wait3A_183 : memref<1x128xi32, #tpu.memory_space<vmem>> -> memref<128xi32, #tpu.memory_space<vmem>>
        %dma_wait3A_185 = arith.constant 0 : i32
        %dma_wait3A_186 = arith.constant 0 : i32
        %dma_wait3A_187 = tpu.memref_slice %arg12[%dma_wait3A_185, %dma_wait3A_186] : memref<10240x128xf32, #tpu.memory_space<vmem_shared>> -> memref<10240x128xf32, #tpu.memory_space<vmem_shared>>
        tpu.wait_indirect_dma semaphore(%run_scoped3A_167 : memref<!tpu.dma_semaphore, #tpu.memory_space<semaphore_mem>>) src(%dma_wait3A_181 : memref<128x128xf32, #tpu.memory_space<vmem>>) dst(%dma_wait3A_187 : memref<10240x128xf32, #tpu.memory_space<vmem_shared>>)
        tpu.yield
      }) : () -> ()
    }
    %scan3A_117 = arith.constant 19 : i32
    %lt3A = arith.constant 4 : i32
    %lt3A_118 = arith.cmpi slt, %add3A, %lt3A : i32
    %convert_element_type3A = arith.extui %lt3A_118 : i1 to i32
    %cond3A = arith.constant 0 : i32
    %cond3A_119 = arith.cmpi ne, %convert_element_type3A, %cond3A : i32
    scf.if %cond3A_119 {
      %dma_start3A_121 = arith.constant 38 : i32
      %dma_start3A_122 = arith.constant 0 : i32
      %dma_start3A_123 = arith.constant 0 : i32
      %dma_start3A_124 = arith.constant 0 : i32
      %dma_start3A_125 = tpu.memref_slice %arg11[%dma_start3A_122, %dma_start3A_123, %dma_start3A_124] : memref<2x128x128xf32, #tpu.memory_space<vmem>> -> memref<1x128x128xf32, #tpu.memory_space<vmem>>
      %dma_start3A_126 = tpu.memref_squeeze %dma_start3A_125 : memref<1x128x128xf32, #tpu.memory_space<vmem>> -> memref<128x128xf32, #tpu.memory_space<vmem>>
      %dma_start3A_127 = arith.constant 0 : i32
      %dma_start3A_128 = tpu.memref_slice %arg9[%dma_start3A_121, %dma_start3A_127] : memref<40x128xi32, #tpu.memory_space<vmem>> -> memref<1x128xi32, #tpu.memory_space<vmem>>
      %dma_start3A_129 = tpu.memref_squeeze %dma_start3A_128 : memref<1x128xi32, #tpu.memory_space<vmem>> -> memref<128xi32, #tpu.memory_space<vmem>>
      %dma_start3A_130 = arith.constant 0 : i32
      %dma_start3A_131 = arith.constant 0 : i32
      %dma_start3A_132 = tpu.memref_slice %arg4[%dma_start3A_130, %dma_start3A_131] : memref<10000x128xf32, #tpu.memory_space<hbm>> -> memref<10000x128xf32, #tpu.memory_space<hbm>>
      tpu.enqueue_indirect_dma source(%dma_start3A_132 : memref<10000x128xf32, #tpu.memory_space<hbm>>) target(%dma_start3A_126 : memref<128x128xf32, #tpu.memory_space<vmem>>) offsets(%dma_start3A_129 : memref<128xi32, #tpu.memory_space<vmem>>) semaphore(%arg13 : memref<!tpu.dma_semaphore, #tpu.memory_space<semaphore_mem>>)
      %dma_wait3A_133 = arith.constant 38 : i32
      %dma_wait3A_134 = arith.constant 0 : i32
      %dma_wait3A_135 = arith.constant 0 : i32
      %dma_wait3A_136 = arith.constant 0 : i32
      %dma_wait3A_137 = tpu.memref_slice %arg11[%dma_wait3A_134, %dma_wait3A_135, %dma_wait3A_136] : memref<2x128x128xf32, #tpu.memory_space<vmem>> -> memref<1x128x128xf32, #tpu.memory_space<vmem>>
      %dma_wait3A_138 = tpu.memref_squeeze %dma_wait3A_137 : memref<1x128x128xf32, #tpu.memory_space<vmem>> -> memref<128x128xf32, #tpu.memory_space<vmem>>
      %dma_wait3A_139 = arith.constant 0 : i32
      %dma_wait3A_140 = tpu.memref_slice %arg9[%dma_wait3A_133, %dma_wait3A_139] : memref<40x128xi32, #tpu.memory_space<vmem>> -> memref<1x128xi32, #tpu.memory_space<vmem>>
      %dma_wait3A_141 = tpu.memref_squeeze %dma_wait3A_140 : memref<1x128xi32, #tpu.memory_space<vmem>> -> memref<128xi32, #tpu.memory_space<vmem>>
      %dma_wait3A_142 = arith.constant 0 : i32
      %dma_wait3A_143 = arith.constant 0 : i32
      %dma_wait3A_144 = tpu.memref_slice %arg4[%dma_wait3A_142, %dma_wait3A_143] : memref<10000x128xf32, #tpu.memory_space<hbm>> -> memref<10000x128xf32, #tpu.memory_space<hbm>>
      tpu.wait_indirect_dma semaphore(%arg13 : memref<!tpu.dma_semaphore, #tpu.memory_space<semaphore_mem>>) src(%dma_wait3A_144 : memref<10000x128xf32, #tpu.memory_space<hbm>>) dst(%dma_wait3A_138 : memref<128x128xf32, #tpu.memory_space<vmem>>)
      %run_scoped3A = arith.constant 0 : i32
      %run_scoped3A_145 = arith.constant 38 : i32
      "tpu.region"() ({
        %run_scoped3A_146 = tpu.sem_alloc : memref<!tpu.dma_semaphore, #tpu.memory_space<semaphore_mem>>
        %dma_start3A_147 = arith.constant 0 : i32
        %dma_start3A_148 = arith.constant 0 : i32
        %dma_start3A_149 = tpu.memref_slice %arg11[%run_scoped3A, %dma_start3A_147, %dma_start3A_148] : memref<2x128x128xf32, #tpu.memory_space<vmem>> -> memref<1x128x128xf32, #tpu.memory_space<vmem>>
        %dma_start3A_150 = tpu.memref_squeeze %dma_start3A_149 : memref<1x128x128xf32, #tpu.memory_space<vmem>> -> memref<128x128xf32, #tpu.memory_space<vmem>>
        %dma_start3A_151 = arith.constant 0 : i32
        %dma_start3A_152 = tpu.memref_slice %arg10[%run_scoped3A_145, %dma_start3A_151] : memref<40x128xi32, #tpu.memory_space<vmem>> -> memref<1x128xi32, #tpu.memory_space<vmem>>
        %dma_start3A_153 = tpu.memref_squeeze %dma_start3A_152 : memref<1x128xi32, #tpu.memory_space<vmem>> -> memref<128xi32, #tpu.memory_space<vmem>>
        %dma_start3A_154 = arith.constant 0 : i32
        %dma_start3A_155 = arith.constant 0 : i32
        %dma_start3A_156 = tpu.memref_slice %arg12[%dma_start3A_154, %dma_start3A_155] : memref<10240x128xf32, #tpu.memory_space<vmem_shared>> -> memref<10240x128xf32, #tpu.memory_space<vmem_shared>>
        tpu.enqueue_indirect_dma source(%dma_start3A_150 : memref<128x128xf32, #tpu.memory_space<vmem>>) target(%dma_start3A_156 : memref<10240x128xf32, #tpu.memory_space<vmem_shared>>) offsets(%dma_start3A_153 : memref<128xi32, #tpu.memory_space<vmem>>) semaphore(%run_scoped3A_146 : memref<!tpu.dma_semaphore, #tpu.memory_space<semaphore_mem>>) {add = true}
        %dma_wait3A_157 = arith.constant 0 : i32
        %dma_wait3A_158 = arith.constant 0 : i32
        %dma_wait3A_159 = tpu.memref_slice %arg11[%run_scoped3A, %dma_wait3A_157, %dma_wait3A_158] : memref<2x128x128xf32, #tpu.memory_space<vmem>> -> memref<1x128x128xf32, #tpu.memory_space<vmem>>
        %dma_wait3A_160 = tpu.memref_squeeze %dma_wait3A_159 : memref<1x128x128xf32, #tpu.memory_space<vmem>> -> memref<128x128xf32, #tpu.memory_space<vmem>>
        %dma_wait3A_161 = arith.constant 0 : i32
        %dma_wait3A_162 = tpu.memref_slice %arg10[%run_scoped3A_145, %dma_wait3A_161] : memref<40x128xi32, #tpu.memory_space<vmem>> -> memref<1x128xi32, #tpu.memory_space<vmem>>
        %dma_wait3A_163 = tpu.memref_squeeze %dma_wait3A_162 : memref<1x128xi32, #tpu.memory_space<vmem>> -> memref<128xi32, #tpu.memory_space<vmem>>
        %dma_wait3A_164 = arith.constant 0 : i32
        %dma_wait3A_165 = arith.constant 0 : i32
        %dma_wait3A_166 = tpu.memref_slice %arg12[%dma_wait3A_164, %dma_wait3A_165] : memref<10240x128xf32, #tpu.memory_space<vmem_shared>> -> memref<10240x128xf32, #tpu.memory_space<vmem_shared>>
        tpu.wait_indirect_dma semaphore(%run_scoped3A_146 : memref<!tpu.dma_semaphore, #tpu.memory_space<semaphore_mem>>) src(%dma_wait3A_160 : memref<128x128xf32, #tpu.memory_space<vmem>>) dst(%dma_wait3A_166 : memref<10240x128xf32, #tpu.memory_space<vmem_shared>>)
        tpu.yield
      }) : () -> ()
    } else {
    }
    %barrier3A_120 = arith.constant 0 : index
    tpu.barrier barrier_id(%barrier3A_120)
    "tpu.region"() ({
      %run_scoped3A = tpu.sem_alloc : memref<!tpu.dma_semaphore, #tpu.memory_space<semaphore_mem>>
      %dma_start3A_121 = arith.constant 0 : i32
      %dma_start3A_122 = tpu.memref_slice %arg6[%arg0, %mul3A_2, %dma_start3A_121] : memref<2x10240x128xf32, #tpu.memory_space<hbm>> -> memref<1x640x128xf32, #tpu.memory_space<hbm>>
      %dma_start3A_123 = tpu.memref_squeeze %dma_start3A_122 : memref<1x640x128xf32, #tpu.memory_space<hbm>> -> memref<640x128xf32, #tpu.memory_space<hbm>>
      %dma_start3A_124 = arith.constant 0 : i32
      %dma_start3A_125 = tpu.memref_slice %arg12[%mul3A_2, %dma_start3A_124] : memref<10240x128xf32, #tpu.memory_space<vmem_shared>> -> memref<640x128xf32, #tpu.memory_space<vmem_shared>>
      tpu.enqueue_dma source(%dma_start3A_125 : memref<640x128xf32, #tpu.memory_space<vmem_shared>>) target(%dma_start3A_123 : memref<640x128xf32, #tpu.memory_space<hbm>>) target_semaphore(%run_scoped3A : memref<!tpu.dma_semaphore, #tpu.memory_space<semaphore_mem>>)
      %dma_wait3A_126 = arith.constant 0 : i32
      %dma_wait3A_127 = tpu.memref_slice %arg6[%arg0, %mul3A_2, %dma_wait3A_126] : memref<2x10240x128xf32, #tpu.memory_space<hbm>> -> memref<1x640x128xf32, #tpu.memory_space<hbm>>
      %dma_wait3A_128 = tpu.memref_squeeze %dma_wait3A_127 : memref<1x640x128xf32, #tpu.memory_space<hbm>> -> memref<640x128xf32, #tpu.memory_space<hbm>>
      %dma_wait3A_129 = arith.constant 0 : i32
      %dma_wait3A_130 = tpu.memref_slice %arg12[%mul3A_2, %dma_wait3A_129] : memref<10240x128xf32, #tpu.memory_space<vmem_shared>> -> memref<640x128xf32, #tpu.memory_space<vmem_shared>>
      tpu.wait_dma2 semaphore(%run_scoped3A : memref<!tpu.dma_semaphore, #tpu.memory_space<semaphore_mem>>) src(%dma_wait3A_130 : memref<640x128xf32, #tpu.memory_space<vmem_shared>>) dst(%dma_wait3A_128 : memref<640x128xf32, #tpu.memory_space<hbm>>)
      tpu.yield
    }) : () -> ()
    return
  }
}

module attributes {stable_mosaic.version = 14 : i64} {
  func.func @_add_body(%arg0: i32, %arg1: memref<1x2000x128xf32, #tpu.memory_space<vmem>>, %arg2: memref<1x2000x128xf32, #tpu.memory_space<vmem>>, %arg3: memref<2000x128xf32, #tpu.memory_space<vmem>>) attributes {dimension_semantics = [#tpu.dimension_semantics<arbitrary>], iteration_bounds = array<i64: 5>, scalar_prefetch = 0 : i64, scratch_operands = 0 : i64, tpu.core_type = #tpu.core_type<tc>, window_params = [{transform_indices = @transform_0, window_bounds = array<i64: 1, 2000, 128>}, {transform_indices = @transform_1, window_bounds = array<i64: 1, 2000, 128>}, {transform_indices = @transform_2, window_bounds = array<i64: 2000, 128>}]} {
    %get3A = arith.constant 0 : index
    %get3A_0 = arith.constant 0 : index
    %get3A_1 = arith.constant 0 : index
    %get3A_2 = vector.load %arg1[%get3A, %get3A_0, %get3A_1] : memref<1x2000x128xf32, #tpu.memory_space<vmem>>, vector<1x2000x128xf32>
    %get3A_3 = vector.shape_cast %get3A_2 : vector<1x2000x128xf32> to vector<2000x128xf32>
    %get3A_4 = arith.constant 0 : index
    %get3A_5 = arith.constant 0 : index
    %get3A_6 = arith.constant 0 : index
    %get3A_7 = vector.load %arg2[%get3A_4, %get3A_5, %get3A_6] : memref<1x2000x128xf32, #tpu.memory_space<vmem>>, vector<1x2000x128xf32>
    %get3A_8 = vector.shape_cast %get3A_7 : vector<1x2000x128xf32> to vector<2000x128xf32>
    %add3A = arith.addf %get3A_3, %get3A_8 : vector<2000x128xf32>
    %swap3A = arith.constant 0 : index
    %swap3A_9 = arith.constant 0 : index
    %swap3A_10 = vector.load %arg3[%swap3A, %swap3A_9] : memref<2000x128xf32, #tpu.memory_space<vmem>>, vector<2000x128xf32>
    tpu.vector_store %arg3[%swap3A, %swap3A_9], %add3A {strides = array<i32>} : memref<2000x128xf32, #tpu.memory_space<vmem>>, vector<2000x128xf32>,
    return
  }
  func.func @transform_0(%arg0: i32) -> (i32, i32, i32) {
    %c0_i32 = arith.constant 0 : i32
    %c0_i32_0 = arith.constant 0 : i32
    %c0_i32_1 = arith.constant 0 : i32
    return %c0_i32, %arg0, %c0_i32_0 : i32, i32, i32
  }
  func.func @transform_1(%arg0: i32) -> (i32, i32, i32) {
    %c1_i32 = arith.constant 1 : i32
    %c0_i32 = arith.constant 0 : i32
    %c0_i32_0 = arith.constant 0 : i32
    return %c1_i32, %arg0, %c0_i32 : i32, i32, i32
  }
  func.func @transform_2(%arg0: i32) -> (i32, i32) {
    %c0_i32 = arith.constant 0 : i32
    %c0_i32_0 = arith.constant 0 : i32
    return %arg0, %c0_i32 : i32, i32
  }
}

</mosaic_0001>

<sc_bundles>
// kernel: kernel.4.cloned.1.call-start
scs
__scs_entry_jumppad:
0x0: {  	(pc) =	sbr.rel $0x88, $3  }
0x1: {  	(tag) =	ssettag $0x0;
	lr =	simm.s32 $0x1  }
0x2: {  	[smem:$0x3F9F] =	sst lr;
	_ =	strace $0xD0000000  }
0x3: {  	_ = 	snop  }
0x4: {  	_ = 	snop  }
0x5: {  	_ = 	snop  }
0x6: {  	_ = 	snop  }
0x7: {  	_ = 	snop  }
__scs_overlays_trampoline_lowered:
0x8: {  	[smem:$0x3FAE] =	sst s0  }
0x9: {  	[smem:$0x3FAF] =	sst s1  }
0xa: {  	[smem:$0x3FB0] =	sst s2  }
0xb: {  	[smem:$0x3FB1] =	sst s3  }
0xc: {  	[smem:$0x3FB2] =	sst s4  }
0xd: {  	[smem:$0x3FB3] =	sst s5  }
0xe: {  	[smem:$0x3FB4] =	sst s6  }
0xf: {  	[smem:$0x3FB5] =	sst s7  }
0x10: {  	[smem:$0x3FB6] =	sst s8  }
0x11: {  	[smem:$0x3FB7] =	sst s9;
	s0 =	simm.s32 @!p0 $0x0  }
0x12: {  	s1 =	sld [smem:$0x3F9D];
	s0 =	simm.s32 @p0 $0x1  }
0x13: {  	[smem:$0x3FB8] =	sst s0;
	s0 =	simm.s32 @!p1 $0x0  }
0x14: {  	s2 =	sld [smem:$0x3F9C];
	s0 =	simm.s32 @p1 $0x1  }
0x15: {  	[smem:$0x3FB9] =	sst s0;
	s0 =	simm.s32 @!p2 $0x0  }
0x16: {  	s3 =	sld [smem:$0x3FDB];
	s0 =	simm.s32 @p2 $0x1  }
0x17: {  	s4 =	simm.s32 $0x1BF5;
	[smem:$0x3FBB] =	sst s0  }
0x18: {  	s0 =	sld [smem:$0x3F9E];
	_ =	swait.ge [sflag:s4], $0x0  }
0x19: {  	s7 =	sld [smem:$0x3F9F]  }
0x1a: {  	s8 =	sadd.s32 $0xFFFFE003, lr  }
0x1b: {  	s9 =	sadd.s32 $0xFFFFFEF7, lr;
	s5 =	simm.s32 $0xFFFFFFFF;
	p2 =	slt.u32 s8, $0xFFFFF086  }
0x1c: {  	p1 =	slt.u32 s9, $0xF7A;
	s5 =	simm.s32 @!p2 $0x0  }
0x1d: {  	s5 =	simm.s32 @p1 $0x1;
	p0 =	seq.s32 s7, s2  }
0x1e: {  	s7 =	smul.u32 @!p0 $0xF7A, s2;
	p2 =	seq.s32 @!p0 s5, $0x0  }
0x1f: {  	s9 =	smul.u32 $0xF7A, s1;
	s8 =	simm.s32 @!p0 $0x1BF5;
	p2 =	por !p2, p0  }
0x20: {  	[sflag:s8] =	ssyncset.s32 @!p0 $0xFFFFF086;
	s6 =	sadd.s32 @!p0 s3, s7;
	s7 =	simm.s32 @!p0 $0x108  }
0x21: {  	s3 =	sadd.s32 s3, s9;
	s6 =	sadd.s32 @!p0 $0x88, s6;
	s7 =	simm.s32 @p2 $0x1082  }
0x22: {  	[simem:s7], [sflag:s8] =	dma.local @!p0 [hbm:s6], $0xF7A  }
0x23: {  	s9 =	sor.u32 $0xD0000000, s2;
	s6 =	simm.s32 $0x108;
	_ =	swait.ge @!p0 [sflag:s8], $0x0  }
0x24: {  	s3 =	sadd.s32 $0x88, s3;
	s6 =	simm.s32 @!p1 $0x1082;
	[sflag:s4] =	ssyncset.s32 $0xFFFFF086  }
0x25: {  	[simem:s6], [sflag:s4] =	dma.local [hbm:s3], $0xF7A  }
0x26: {  	[smem:$0x3F9F] =	sst s1;
	(tag) =	ssettag s2;
	_ =	strace s9  }
0x27: {  	s1 =	sld [smem:$0x3FAF]  }
0x28: {  	s2 =	sld [smem:$0x3FB0]  }
0x29: {  	s4 =	sld [smem:$0x3FB2]  }
0x2a: {  	p0 =	seq.s32 s5, $0x0;
	s5 =	sld [smem:$0x3FB3]  }
0x2b: {  	s6 =	sld [smem:$0x3FB4]  }
0x2c: {  	s7 =	sld [smem:$0x3FB5]  }
0x2d: {  	s3 =	simm.s32 $0x108;
	s8 =	sld [smem:$0x3FB6]  }
0x2e: {  	s3 =	simm.s32 @!p0 $0x1082;
	s9 =	sld [smem:$0x3FB7]  }
0x2f: {  	lr =	sadd.s32 s0, s3;
	s0 =	sld [smem:$0x3FAE]  }
0x30: {  	s3 =	sld [smem:$0x3FB1]  }
0x31: {  	[smem:$0x3FBA] =	sst s10  }
0x32: {  	s10 =	sld [smem:$0x3FB8];
	_ =	sdelay $0x3  }
0x33: {  	p0 =	seq.s32 s10, $0x1;
	s10 =	sld [smem:$0x3FBA];
	_ =	sdelay $0x3  }
0x34: {  	[smem:$0x3FBA] =	sst s10  }
0x35: {  	s10 =	sld [smem:$0x3FB9];
	_ =	sdelay $0x3  }
0x36: {  	p1 =	seq.s32 s10, $0x1;
	s10 =	sld [smem:$0x3FBA];
	_ =	sdelay $0x3  }
0x37: {  	[smem:$0x3FBA] =	sst s10  }
0x38: {  	s10 =	sld [smem:$0x3FBB]  }
0x39: {  	_ = 	snop;
	(pc) =	sbr.ind lr, $3  }
0x3a: {  	_ = 	snop  }
0x3b: {  	_ = 	snop  }
0x3c: {  	p2 =	seq.s32 s10, $0x1;
	s10 =	sld [smem:$0x3FBA]  }
0x3d: {  	_ =	shalt  }
0x3e: {  	_ =	shalt  }
0x3f: {  	_ =	shalt  }
0x40: {  	_ =	shalt  }
0x41: {  	_ =	shalt  }
0x42: {  	_ =	shalt  }
0x43: {  	_ =	shalt  }
0x44: {  	_ =	shalt  }
0x45: {  	_ =	shalt  }
0x46: {  	_ =	shalt  }
0x47: {  	_ =	shalt  }
0x48: {  	_ =	shalt  }
0x49: {  	_ =	shalt  }
0x4a: {  	_ =	shalt  }
0x4b: {  	_ =	shalt  }
0x4c: {  	_ =	shalt  }
0x4d: {  	_ =	shalt  }
0x4e: {  	_ =	shalt  }
0x4f: {  	_ =	shalt  }
0x50: {  	_ =	shalt  }
0x51: {  	_ =	shalt  }
0x52: {  	_ =	shalt  }
0x53: {  	_ =	shalt  }
0x54: {  	_ =	shalt  }
0x55: {  	_ =	shalt  }
0x56: {  	_ =	shalt  }
0x57: {  	_ =	shalt  }
0x58: {  	_ =	shalt  }
0x59: {  	_ =	shalt  }
0x5a: {  	_ =	shalt  }
0x5b: {  	_ =	shalt  }
0x5c: {  	_ =	shalt  }
0x5d: {  	_ =	shalt  }
0x5e: {  	_ =	shalt  }
0x5f: {  	_ =	shalt  }
0x60: {  	_ =	shalt  }
0x61: {  	_ =	shalt  }
0x62: {  	_ =	shalt  }
0x63: {  	_ =	shalt  }
0x64: {  	_ =	shalt  }
0x65: {  	_ =	shalt  }
0x66: {  	_ =	shalt  }
0x67: {  	_ =	shalt  }
0x68: {  	_ =	shalt  }
0x69: {  	_ =	shalt  }
0x6a: {  	_ =	shalt  }
0x6b: {  	_ =	shalt  }
0x6c: {  	_ =	shalt  }
0x6d: {  	_ =	shalt  }
0x6e: {  	_ =	shalt  }
0x6f: {  	_ =	shalt  }
0x70: {  	_ =	shalt  }
0x71: {  	_ =	shalt  }
0x72: {  	_ =	shalt  }
0x73: {  	_ =	shalt  }
0x74: {  	_ =	shalt  }
0x75: {  	_ =	shalt  }
0x76: {  	_ =	shalt  }
0x77: {  	_ =	shalt  }
0x78: {  	_ =	shalt  }
0x79: {  	_ =	shalt  }
0x7a: {  	_ =	shalt  }
0x7b: {  	_ =	shalt  }
0x7c: {  	_ =	shalt  }
0x7d: {  	_ =	shalt  }
0x7e: {  	_ =	shalt  }
0x7f: {  	_ =	shalt  }
0x80: {  	_ =	shalt  }
0x81: {  	_ =	shalt  }
0x82: {  	_ =	shalt  }
0x83: {  	_ =	shalt  }
0x84: {  	_ =	shalt  }
0x85: {  	_ =	shalt  }
0x86: {  	_ =	shalt  }
0x87: {  	_ =	shalt  }
.Lfunc_end0:
.L_simem_size_0:
called_computation_lowered:
.L_overlay_start_0:
0x88: {  	s2 =	sld [smem:$0x3FD9]  }
0x89: {  	s3 =	sld [smem:$0x3FFE];
	_ =	sdelay $0x1  }
0x8a: {  	s1 =	srdreg.scid  }
0x8b: {  	s0 =	sand.u32 $0x1, s1  }
0x8c: {  	s17 =	sshll.u32 s0, $0xA;
	s2 =	sadd.s32 s3, s2  }
0x8d: {  	s2 =	sadd.s32 s2, s17  }
0x8e: {  	[smem:$0x3FC6] =	sst s2  }
0x8f: {  	_ = 	snop  }
0x90: {  	s2 =	sld [smem:$0x3FC8]  }
0x91: {  	s18 =	sld [smem:$0x3FD0];
	(tm) =	ssettm $0x1  }
0x92: {  	s4 =	sld [smem:$0x3FFB];
	_ =	sdelay $0x3  }
0x93: {  	_ =	strace s4  }
0x94: {  	s4 =	sld [smem:$0x3FFC];
	_ =	sdelay $0x3  }
0x95: {  	_ =	strace s4  }
0x96: {  	s4 =	sld [smem:$0x3FFD];
	_ =	sdelay $0x3  }
0x97: {  	_ =	strace s4  }
0x98: {  	_ =	strace $0x8FFFFFFF  }
0x99: {  	s19 =	sld [smem:$0x3FDB];
	_ =	sdelay $0x1  }
0x9a: {  	s5 =	simm.s32 $_scs_section_size  }
0x9b: {  	s6 =	simm.s32 $_size__tile_overlayer_lowered;
	s7 =	simm.s32 $_tile_overlayer_lowered  }
0x9c: {  	s22 =	simm.s32 $0x1BFF;
	s21 =	sshll.u32 s7, $0x1;
	s4 =	sadd.s32 s5, s19  }
0x9d: {  	s8 =	simm.s32 $0x0;
	s20 =	sshll.u32 s6, $0x1;
	s6 =	sadd.s32 s21, s4  }
0x9e: {  	[timem:s8], [sflag:s22] =	dma.local [hbm:s6], s20  }
0x9f: {  	_ =	swait.ge [sflag:s22], s20  }
0xa0: {  	s5 =	ssub.s32 $0x0, s20;
	[sflag:s22] =	ssyncset.done $0x0  }
0xa1: {  	[sflag:s22] =	ssyncadd.s32 s5;
	_ =	sdelay $0x1  }
0xa2: {  	s23 =	simm.s32 $0x1B8B  }
0xa3: {  	_ =	swait.ge [sflag:s23], $0x1  }
0xa4: {  	[sflag:s23] =	ssyncset.done $0x0  }
0xa5: {  	s25 =	simm.s32 $0x1B8E;
	s24 =	sld [smem:$0x3FFE];
	[sflag:s23] =	ssyncadd.s32 $0xFFFFFFFF  }
0xa6: {  	s26 =	simm.s32 $execute0_lowered;
	[smem:$0x3FD2] =	sst s25  }
0xa7: {  	s6 =	sshll.u32 s26, $0x1;
	_ =	strace $0x80000046;
	[dreg:$0x1] =	wrdreg $0xFFFFFFFF  }
0xa8: {  	s28 =	simm.s32 $_size_execute0_lowered;
	s4 =	sadd.s32 s4, s6;
	[dreg:$0x0] =	wrdreg $0x0  }
0xa9: {  	s6 =	sshll.u32 s28, $0x1;
	[dreg:$0x2] =	wrdreg s4  }
0xaa: {  	[dreg:$0x3] =	wrdreg s6  }
0xab: {  	[dreg:$0x4] =	wrdreg $0xC0  }
0xac: {  	_ =	task [dreg:s8], $0x5FFFF  }
0xad: {  	[dreg:$0x1] =	wrdreg $0xFFFFFFFF  }
0xae: {  	[dreg:$0x0] =	wrdreg $0x60  }
0xaf: {  	[dreg:$0x2] =	wrdreg s24  }
0xb0: {  	[dreg:$0x3] =	wrdreg s18  }
0xb1: {  	[dreg:$0x4] =	wrdreg s2  }
0xb2: {  	[dreg:$0x5] =	wrdreg $0xBC800  }
0xb3: {  	[dreg:$0x6] =	wrdreg $0x9  }
0xb4: {  	_ =	task.clear_ibuf [dreg:s8], $0x7FFFF;
	_ =	strace $0x90000046  }
0xb5: {  	s29 =	simm.s32 $0x9;
	_ =	strace $0x80000048  }
0xb6: {  	_ =	swait.ge [sflag:s29], $0x1  }
0xb7: {  	[sflag:s29] =	ssyncadd.s32 $0xFFFFFFFF  }
0xb8: {  	_ =	strace $0x90000048  }
0xb9: {  	_ =	sfence  }
0xba: {  	s30 =	sld [smem:$0x0];
	_ =	sdelay $0x2  }
0xbb: {  	s31 =	sshll.u32 s1, $0xD;
	s1 =	sshrl.u32 s1, $0x2  }
0xbc: {  	s3 =	sand.u32 $0x4000, s31;
	s1 =	sadd.s32 s1, s30  }
0xbd: {  	s0 =	sor.u32 s3, s0;
	s1 =	sshll.u32 s1, $0x11  }
0xbe: {  	s0 =	sor.u32 s1, s0  }
0xbf: {  	s0 =	sadd.s32 $0x8F2B, s0  }
0xc0: {  	[sflag:s0] =	ssyncadd.remote.s32 $0x1  }
0xc1: {  	_ =	sfence.sel $0xFFFF  }
0xc2: {  	[dreg:$0x0] =	wrdreg $0xFFFFFFFF;
	(pc) =	sbr.abs _section_cstart, $3  }
0xc3: {  	[dreg:$0x1] =	wrdreg $0xFFFFFFFF  }
0xc4: {  	_ =	task.clear_ibuf [dreg:s8], $0x2FFFF;
	_ =	strace $0x9FFFFFFF  }
0xc5: {  	(tm) =	ssettm $0x7FFFFFFF  }
tec
execute0_lowered:
.L_overlay_start_1:
0x0: {  	(tag) =	ssettag $0x1  }
0x1: {  	s0 =	rddreg [dreg:$0x0]  }
0x2: {  	s1 =	rddreg [dreg:$0x1]  }
0x3: {  	s4 =	rddreg [dreg:$0x2];
	s2 =	srdreg.scid  }
0x4: {  	s5 =	rddreg [dreg:$0x3];
	s21 =	stileid.u32;
	s6 =	simm.s32 $0x0  }
0x5: {  	s13 =	simm.s32 $0x28;
	s14 =	simm.s32 $0x80;
	s15 =	simm.s32 $0x5  }
0x6: {  	s16 =	simm.s32 $0x1480;
	s17 =	simm.s32 $0x2880;
	s18 =	simm.s32 $0x3C80  }
0x7: {  	s19 =	simm.s32 $0x3;
	s20 =	simm.s32 $0x7C80;
	s22 =	simm.s32 $0x2  }
0x8: {  	s28 =	simm.s32 $0x2700;
	s31 =	simm.s32 $0x0;
	s7 =	smul.u32 $0x14000, s21  }
0x9: {  	s2 =	sand.u32 $0x1, s2;
	[smem:$0x7FF] =	sst s6;
	s9 =	smul.u32 $0x50000, s21  }
0xa: {  	s26 =	sshll.u32 s21, $0x1;
	p0 =	sgt.u32 s21, $0x1;
	s3 =	smul.u32 $0x140000, s2  }
0xb: {  	_ =	strace $0x80000047;
	s8 =	ssub.s32 $0x2, s2;
	s2 =	sor.u32 s2, s26  }
0xc: {  	s10 =	sshrl.u32 s8, $0x1;
	s9 =	sshrl.u32 s9, $0x2;
	s25 =	sor.u32 $0x200, s2  }
0xd: {  	v0 =	vlaneseq.u32;
	s29 =	sor.u32 $0x400, s2;
	s30 =	sor.u32 $0x600, s2;
	s26 =	sor.u32 $0x800, s2  }
0xe: {  	v3 =	vmul.u32 $0x20, v0;
	s3 =	sadd.s32 s7, s3;
	s7 =	sadd.s32 $0x9E00, s0;
	s11 =	ssub.s32 s8, s10  }
0xf: {  	s12 =	sadd.s32 s9, s5;
	s8 =	sshll.u32 s21, $0x6;
	s21 =	simm.s32 $0x1  }
0x10: {  	v4 =	vor.u32 s26, v3;
	s26 =	simm.s32 $0x4;
	v2 =	vor.u32 s29, v3;
	s29 =	simm.s32 $0x3A80;
	s3 =	sshrl.u32 s3, $0x3  }
0x11: {  	v0 =	vor.u32 s2, v3;
	v1 =	vor.u32 s25, v3;
	v3 =	vor.u32 s30, v3;
	s30 =	simm.s32 $0x3B00;
	s9 =	sor.u32 $0x1C03, s8;
	s3 =	sadd.s32 s3, s0  }
0x12: {  	s11 =	smax.u32 s11, $0x1;
	s12 =	sshrl.u32 s12, $0x3;
	v4 =	vmin.u32 v4, $0x9C3;
	s10 =	sadd.s32 $0xC600, s3  }
.LBB2_1:
0x13: {  	[spmem:s12], [sflag:s9] =	dma.local [hbm:s7], $0x2800;
	[tilespmem:$0x0] =	vst v0  }
0x14: {  	[tilespmem:$0x10] =	vst v1  }
0x15: {  	[tilespmem:$0x20] =	vst v2  }
0x16: {  	[tilespmem:$0x30] =	vst v3  }
0x17: {  	[tilespmem:$0x40] =	vst v4  }
0x18: {  	[tilespmem:s14], [sflag:$0x5] =	stream.indirect.gather [hbm4b:s0+s13], $0x80, s6, s13, $0xb8;
	[tilespmem:$0x1FC80] =	vst v63  }
0x19: {  	_ =	swait.ge [sflag:s15], $0x1400  }
0x1a: {  	[sflag:s15] =	ssyncset.done $0x0  }
0x1b: {  	[sflag:s15] =	ssyncadd.s32 $0xFFFFEC00  }
0x1c: {  	[tilespmem:s16], [sflag:$0x4] =	stream.indirect.gather [hbm4b:s0+s13], $0x80, s13, s13, $0xb8;
	[tilespmem:$0x1FC80] =	vst v63  }
0x1d: {  	_ = 	snop  }
0x1e: {  	[tilespmem:s17], [sflag:$0x5] =	stream.indirect.gather [hbm4b:s1+s13], $0x80, s6, s13, $0xb8;
	[tilespmem:$0x1FC80] =	vst v63  }
0x1f: {  	_ =	swait.ge [sflag:s15], $0x1400  }
0x20: {  	[sflag:s15] =	ssyncset.done $0x0  }
0x21: {  	[sflag:s15] =	ssyncadd.s32 $0xFFFFEC00  }
0x22: {  	[tilespmem:s18], [sflag:$0x1] =	stream.indirect.gather [hbm4b:s4+s14], $0x80, s14, s14, $0xb8;
	[tilespmem:$0x1FC80] =	vst v63  }
0x23: {  	_ =	swait.ge [sflag:s19], $0x2800  }
0x24: {  	[sflag:s19] =	ssyncset.done $0x0  }
0x25: {  	[sflag:s19] =	ssyncadd.s32 $0xFFFFD800  }
0x26: {  	s2 =	simm.s32 $0x100;
	[bflag:$0x0] =	sbarrier.arrive $0xFFFF  }
0x27: {  	[tilespmem:s20], [sflag:$0x2] =	stream.indirect.gather [hbm4b:s4+s14], $0x80, s2, s14, $0xb8;
	[tilespmem:$0x1FC80] =	vst v63  }
0x28: {  	_ =	swait.ge [sflag:s21], $0x4000  }
0x29: {  	[sflag:s21] =	ssyncset.done $0x0  }
0x2a: {  	s23 =	simm.s32 $0x2880;
	[sflag:s21] =	ssyncadd.s32 $0xFFFFC000  }
0x2b: {  	[spmem:s5] =	stream.indirect.scatter.add.f32 [tilespmem:s18], [sflag:$0x5], $0x80, s23, s14, $0xb8;
	[tilespmem:$0x1FC80] =	vst v63  }
0x2c: {  	_ =	swait.ge [sflag:s15], $0x4000  }
0x2d: {  	[sflag:s15] =	ssyncset.done $0x0  }
0x2e: {  	s24 =	simm.s32 $0x180;
	[sflag:s15] =	ssyncadd.s32 $0xFFFFC000  }
0x2f: {  	[tilespmem:s18], [sflag:$0x1] =	stream.indirect.gather [hbm4b:s4+s14], $0x80, s24, s14, $0xb8;
	[tilespmem:$0x1FC80] =	vst v63  }
0x30: {  	_ =	swait.ge [sflag:s22], $0x4000  }
0x31: {  	[sflag:s22] =	ssyncset.done $0x0  }
0x32: {  	s25 =	simm.s32 $0x2900;
	[sflag:s22] =	ssyncadd.s32 $0xFFFFC000  }
0x33: {  	[spmem:s5] =	stream.indirect.scatter.add.f32 [tilespmem:s20], [sflag:$0x5], $0x80, s25, s14, $0xb8;
	[tilespmem:$0x1FC80] =	vst v63  }
0x34: {  	_ =	swait.ge [sflag:s15], $0x4000  }
0x35: {  	s3 =	simm.s32 $0x800;
	s2 =	simm.s32 $0x100;
	[sflag:s15] =	ssyncset.done $0x0  }
.LBB2_2:
0x36: {  	s23 =	sadd.s32 $0x100, s2  }
0x37: {  	[sflag:s15] =	ssyncadd.s32 $0xFFFFC000;
	s24 =	smov.u32 s3;
	s25 =	sadd.s32 $0x400, s3  }
0x38: {  	[tilespmem:s20], [sflag:$0x2] =	stream.indirect.gather [hbm4b:s4+s14], $0x80, s23, s14, $0xb8;
	[tilespmem:$0x1FC80] =	vst v63  }
0x39: {  	p1 =	sne.s32 s3, $0x4800;
	_ =	swait.ge [sflag:s21], $0x4000  }
0x3a: {  	[sflag:s21] =	ssyncset.done $0x0  }
0x3b: {  	s3 =	sadd.s32 $0x2880, s2;
	[sflag:s21] =	ssyncadd.s32 $0xFFFFC000  }
0x3c: {  	[spmem:s5] =	stream.indirect.scatter.add.f32 [tilespmem:s18], [sflag:$0x5], $0x80, s3, s14, $0xb8;
	[tilespmem:$0x1FC80] =	vst v63  }
0x3d: {  	_ =	swait.ge [sflag:s15], $0x4000  }
0x3e: {  	[sflag:s15] =	ssyncset.done $0x0  }
0x3f: {  	s3 =	sadd.s32 $0x180, s2;
	[sflag:s15] =	ssyncadd.s32 $0xFFFFC000  }
0x40: {  	[tilespmem:s18], [sflag:$0x1] =	stream.indirect.gather [hbm4b:s4+s14], $0x80, s3, s14, $0xb8;
	[tilespmem:$0x1FC80] =	vst v63  }
0x41: {  	_ =	swait.ge [sflag:s22], $0x4000  }
.Ltmp0:
0x42: {  	[sflag:s22] =	ssyncset.done $0x0;
	(pc) =	sbr.rel @p1 .LBB2_2-.Ltmp0, $4  }
0x43: {  	s2 =	sadd.s32 $0x2900, s2;
	[sflag:s22] =	ssyncadd.s32 $0xFFFFC000  }
0x44: {  	[spmem:s5] =	stream.indirect.scatter.add.f32 [tilespmem:s20], [sflag:$0x5], $0x80, s2, s14, $0xb8;
	[tilespmem:$0x1FC80] =	vst v63  }
0x45: {  	_ =	swait.ge [sflag:s15], $0x4000  }
0x46: {  	s3 =	smov.u32 s25;
	s2 =	sshra.s32 s24, $0x2;
	[sflag:s15] =	ssyncset.done $0x0  }
0x47: {  	s3 =	sadd.s32 $0x100, s2;
	[sflag:s15] =	ssyncadd.s32 $0xFFFFC000  }
0x48: {  	[tilespmem:s20], [sflag:$0x2] =	stream.indirect.gather [hbm4b:s4+s14], $0x80, s3, s14, $0xb8;
	[tilespmem:$0x1FC80] =	vst v63  }
0x49: {  	_ =	swait.ge [sflag:s21], $0x4000  }
0x4a: {  	[sflag:s21] =	ssyncset.done $0x0  }
0x4b: {  	s24 =	sadd.s32 $0x2880, s2;
	[sflag:s21] =	ssyncadd.s32 $0xFFFFC000  }
0x4c: {  	[spmem:s5] =	stream.indirect.scatter.add.f32 [tilespmem:s18], [sflag:$0x5], $0x80, s24, s14, $0xb8;
	[tilespmem:$0x1FC80] =	vst v63  }
0x4d: {  	_ =	swait.ge [sflag:s15], $0x4000  }
0x4e: {  	[sflag:s15] =	ssyncset.done $0x0  }
0x4f: {  	s25 =	sadd.s32 $0x180, s2;
	[sflag:s15] =	ssyncadd.s32 $0xFFFFC000  }
0x50: {  	[tilespmem:s18], [sflag:$0x1] =	stream.indirect.gather [hbm4b:s4+s14], $0x80, s25, s14, $0xb8;
	[tilespmem:$0x1FC80] =	vst v63  }
0x51: {  	_ =	swait.ge [sflag:s22], $0x4000  }
0x52: {  	[sflag:s22] =	ssyncset.done $0x0  }
0x53: {  	s3 =	sadd.s32 $0x2900, s2;
	[sflag:s22] =	ssyncadd.s32 $0xFFFFC000  }
0x54: {  	[spmem:s5] =	stream.indirect.scatter.add.f32 [tilespmem:s20], [sflag:$0x5], $0x80, s3, s14, $0xb8;
	[tilespmem:$0x1FC80] =	vst v63  }
0x55: {  	_ =	swait.ge [sflag:s15], $0x4000  }
0x56: {  	[sflag:s15] =	ssyncset.done $0x0  }
0x57: {  	s23 =	simm.s32 $0x1400;
	[sflag:s15] =	ssyncadd.s32 $0xFFFFC000  }
0x58: {  	[tilespmem:s20], [sflag:$0x2] =	stream.indirect.gather [hbm4b:s4+s14], $0x80, s23, s14, $0xb8;
	[tilespmem:$0x1FC80] =	vst v63  }
0x59: {  	_ =	swait.ge [sflag:s21], $0x4000  }
0x5a: {  	[sflag:s21] =	ssyncset.done $0x0  }
0x5b: {  	s24 =	simm.s32 $0x3B80;
	[sflag:s21] =	ssyncadd.s32 $0xFFFFC000  }
0x5c: {  	[spmem:s5] =	stream.indirect.scatter.add.f32 [tilespmem:s18], [sflag:$0x5], $0x80, s24, s14, $0xb8;
	[tilespmem:$0x1FC80] =	vst v63  }
0x5d: {  	_ =	swait.ge [sflag:s15], $0x4000  }
0x5e: {  	[sflag:s15] =	ssyncset.done $0x0  }
0x5f: {  	[sflag:s15] =	ssyncadd.s32 $0xFFFFC000  }
0x60: {  	_ =	swait.ge [sflag:s22], $0x4000  }
0x61: {  	[sflag:s22] =	ssyncset.done $0x0  }
0x62: {  	s25 =	simm.s32 $0x3C00;
	[sflag:s22] =	ssyncadd.s32 $0xFFFFC000  }
0x63: {  	[spmem:s5] =	stream.indirect.scatter.add.f32 [tilespmem:s20], [sflag:$0x5], $0x80, s25, s14, $0xb8;
	[tilespmem:$0x1FC80] =	vst v63  }
0x64: {  	_ =	swait.ge [sflag:s15], $0x4000  }
0x65: {  	[sflag:s15] =	ssyncset.done $0x0  }
0x66: {  	[sflag:s15] =	ssyncadd.s32 $0xFFFFC000  }
0x67: {  	_ =	swait.ge [sflag:s26], $0x1400  }
0x68: {  	[sflag:s26] =	ssyncset.done $0x0  }
0x69: {  	[sflag:s26] =	ssyncadd.s32 $0xFFFFEC00  }
0x6a: {  	[tilespmem:s17], [sflag:$0x5] =	stream.indirect.gather [hbm4b:s1+s13], $0x80, s13, s13, $0xb8;
	[tilespmem:$0x1FC80] =	vst v63  }
0x6b: {  	_ =	swait.ge [sflag:s15], $0x1400  }
0x6c: {  	[sflag:s15] =	ssyncset.done $0x0  }
0x6d: {  	[sflag:s15] =	ssyncadd.s32 $0xFFFFEC00  }
0x6e: {  	[tilespmem:s18], [sflag:$0x1] =	stream.indirect.gather [hbm4b:s4+s14], $0x80, s16, s14, $0xb8;
	[tilespmem:$0x1FC80] =	vst v63  }
0x6f: {  	s3 =	simm.s32 $0x1500  }
0x70: {  	[tilespmem:s20], [sflag:$0x2] =	stream.indirect.gather [hbm4b:s4+s14], $0x80, s3, s14, $0xb8;
	[tilespmem:$0x1FC80] =	vst v63  }
0x71: {  	_ =	swait.ge [sflag:s21], $0x4000  }
0x72: {  	[sflag:s21] =	ssyncset.done $0x0  }
0x73: {  	s23 =	simm.s32 $0x2880;
	[sflag:s21] =	ssyncadd.s32 $0xFFFFC000  }
0x74: {  	[spmem:s5] =	stream.indirect.scatter.add.f32 [tilespmem:s18], [sflag:$0x5], $0x80, s23, s14, $0xb8;
	[tilespmem:$0x1FC80] =	vst v63  }
0x75: {  	_ =	swait.ge [sflag:s15], $0x4000  }
0x76: {  	[sflag:s15] =	ssyncset.done $0x0  }
0x77: {  	s24 =	simm.s32 $0x1580;
	[sflag:s15] =	ssyncadd.s32 $0xFFFFC000  }
0x78: {  	[tilespmem:s18], [sflag:$0x1] =	stream.indirect.gather [hbm4b:s4+s14], $0x80, s24, s14, $0xb8;
	[tilespmem:$0x1FC80] =	vst v63  }
0x79: {  	_ =	swait.ge [sflag:s22], $0x4000  }
0x7a: {  	[sflag:s22] =	ssyncset.done $0x0  }
0x7b: {  	s25 =	simm.s32 $0x2900;
	[sflag:s22] =	ssyncadd.s32 $0xFFFFC000  }
0x7c: {  	[spmem:s5] =	stream.indirect.scatter.add.f32 [tilespmem:s20], [sflag:$0x5], $0x80, s25, s14, $0xb8;
	[tilespmem:$0x1FC80] =	vst v63  }
0x7d: {  	_ =	swait.ge [sflag:s15], $0x4000  }
0x7e: {  	s2 =	simm.s32 $0x100;
	s3 =	simm.s32 $0x800;
	[sflag:s15] =	ssyncset.done $0x0  }
.LBB2_4:
0x7f: {  	s23 =	sadd.s32 $0x1500, s2  }
0x80: {  	[sflag:s15] =	ssyncadd.s32 $0xFFFFC000;
	s24 =	smov.u32 s3;
	s25 =	sadd.s32 $0x400, s3  }
0x81: {  	[tilespmem:s20], [sflag:$0x2] =	stream.indirect.gather [hbm4b:s4+s14], $0x80, s23, s14, $0xb8;
	[tilespmem:$0x1FC80] =	vst v63  }
0x82: {  	p1 =	sne.s32 s3, $0x4400;
	_ =	swait.ge [sflag:s21], $0x4000  }
0x83: {  	[sflag:s21] =	ssyncset.done $0x0  }
0x84: {  	s3 =	sadd.s32 $0x2880, s2;
	[sflag:s21] =	ssyncadd.s32 $0xFFFFC000  }
0x85: {  	[spmem:s5] =	stream.indirect.scatter.add.f32 [tilespmem:s18], [sflag:$0x5], $0x80, s3, s14, $0xb8;
	[tilespmem:$0x1FC80] =	vst v63  }
0x86: {  	_ =	swait.ge [sflag:s15], $0x4000  }
0x87: {  	[sflag:s15] =	ssyncset.done $0x0  }
0x88: {  	s3 =	sadd.s32 $0x1580, s2;
	[sflag:s15] =	ssyncadd.s32 $0xFFFFC000  }
0x89: {  	[tilespmem:s18], [sflag:$0x1] =	stream.indirect.gather [hbm4b:s4+s14], $0x80, s3, s14, $0xb8;
	[tilespmem:$0x1FC80] =	vst v63  }
0x8a: {  	_ =	swait.ge [sflag:s22], $0x4000  }
.Ltmp1:
0x8b: {  	[sflag:s22] =	ssyncset.done $0x0;
	(pc) =	sbr.rel @p1 .LBB2_4-.Ltmp1, $4  }
0x8c: {  	s2 =	sadd.s32 $0x2900, s2;
	[sflag:s22] =	ssyncadd.s32 $0xFFFFC000  }
0x8d: {  	[spmem:s5] =	stream.indirect.scatter.add.f32 [tilespmem:s20], [sflag:$0x5], $0x80, s2, s14, $0xb8;
	[tilespmem:$0x1FC80] =	vst v63  }
0x8e: {  	_ =	swait.ge [sflag:s15], $0x4000  }
0x8f: {  	s3 =	smov.u32 s25;
	s2 =	sshra.s32 s24, $0x2;
	[sflag:s15] =	ssyncset.done $0x0  }
0x90: {  	s3 =	sadd.s32 $0x1500, s2;
	[sflag:s15] =	ssyncadd.s32 $0xFFFFC000  }
0x91: {  	[tilespmem:s20], [sflag:$0x2] =	stream.indirect.gather [hbm4b:s4+s14], $0x80, s3, s14, $0xb8;
	[tilespmem:$0x1FC80] =	vst v63  }
0x92: {  	_ =	swait.ge [sflag:s21], $0x4000  }
0x93: {  	[sflag:s21] =	ssyncset.done $0x0  }
0x94: {  	s25 =	sadd.s32 $0x2880, s2;
	[sflag:s21] =	ssyncadd.s32 $0xFFFFC000  }
0x95: {  	[spmem:s5] =	stream.indirect.scatter.add.f32 [tilespmem:s18], [sflag:$0x5], $0x80, s25, s14, $0xb8;
	[tilespmem:$0x1FC80] =	vst v63  }
0x96: {  	_ =	swait.ge [sflag:s15], $0x4000  }
0x97: {  	[sflag:s15] =	ssyncset.done $0x0  }
0x98: {  	s23 =	sadd.s32 $0x1580, s2;
	[sflag:s15] =	ssyncadd.s32 $0xFFFFC000  }
0x99: {  	[tilespmem:s18], [sflag:$0x1] =	stream.indirect.gather [hbm4b:s4+s14], $0x80, s23, s14, $0xb8;
	[tilespmem:$0x1FC80] =	vst v63  }
0x9a: {  	_ =	swait.ge [sflag:s22], $0x4000  }
0x9b: {  	[sflag:s22] =	ssyncset.done $0x0  }
0x9c: {  	s24 =	sadd.s32 $0x2900, s2;
	[sflag:s22] =	ssyncadd.s32 $0xFFFFC000  }
0x9d: {  	[spmem:s5] =	stream.indirect.scatter.add.f32 [tilespmem:s20], [sflag:$0x5], $0x80, s24, s14, $0xb8;
	[tilespmem:$0x1FC80] =	vst v63  }
0x9e: {  	_ =	swait.ge [sflag:s15], $0x4000  }
0x9f: {  	[sflag:s15] =	ssyncset.done $0x0  }
0xa0: {  	[sflag:s15] =	ssyncadd.s32 $0xFFFFC000  }
0xa1: {  	[tilespmem:s20], [sflag:$0x2] =	stream.indirect.gather [hbm4b:s4+s14], $0x80, s28, s14, $0xb8;
	[tilespmem:$0x1FC80] =	vst v63  }
0xa2: {  	_ =	swait.ge [sflag:s21], $0x4000  }
0xa3: {  	[sflag:s21] =	ssyncset.done $0x0  }
0xa4: {  	[sflag:s21] =	ssyncadd.s32 $0xFFFFC000  }
0xa5: {  	[spmem:s5] =	stream.indirect.scatter.add.f32 [tilespmem:s18], [sflag:$0x5], $0x80, s29, s14, $0xb8;
	[tilespmem:$0x1FC80] =	vst v63  }
0xa6: {  	_ =	swait.ge [sflag:s15], $0x4000  }
0xa7: {  	[sflag:s15] =	ssyncset.done $0x0  }
0xa8: {  	[sflag:s15] =	ssyncadd.s32 $0xFFFFC000  }
0xa9: {  	_ =	swait.ge [sflag:s22], $0x4000  }
0xaa: {  	[sflag:s22] =	ssyncset.done $0x0  }
0xab: {  	[sflag:s22] =	ssyncadd.s32 $0xFFFFC000  }
0xac: {  	[spmem:s5] =	stream.indirect.scatter.add.f32 [tilespmem:s20], [sflag:$0x5], $0x80, s30, s14, $0xb8;
	[tilespmem:$0x1FC80] =	vst v63  }
0xad: {  	_ =	swait.ge [sflag:s15], $0x4000  }
0xae: {  	s2 =	simm.s32 @!p0 $0x80;
	[sflag:s15] =	ssyncset.done $0x0  }
0xaf: {  	s3 =	simm.s32 @!p0 $0x2780;
	s23 =	simm.s32 @!p0 $0x3C80;
	[sflag:s15] =	ssyncadd.s32 $0xFFFFC000  }
0xb0: {  	[tilespmem:s23], [sflag:$0x1] =	stream.indirect.gather @!p0 [hbm4b:s4+s2], $0x80, s3, s2, $0xb8;
	[tilespmem:$0x1FC80] =	vst v63  }
0xb1: {  	s3 =	simm.s32 @!p0 $0x1  }
0xb2: {  	_ =	swait.ge @!p0 [sflag:s3], $0x4000  }
0xb3: {  	[sflag:s3] =	ssyncset.done @!p0 $0x0  }
0xb4: {  	[sflag:s3] =	ssyncadd.s32 @!p0 $0xFFFFC000;
	s3 =	simm.s32 @!p0 $0x3B80  }
0xb5: {  	[spmem:s5] =	stream.indirect.scatter.add.f32 @!p0 [tilespmem:s23], [sflag:$0x5], $0x80, s3, s2, $0xb8;
	[tilespmem:$0x1FC80] =	vst v63  }
0xb6: {  	s2 =	simm.s32 @!p0 $0x5  }
0xb7: {  	_ =	swait.ge @!p0 [sflag:s2], $0x4000  }
0xb8: {  	s31 =	sadd.s32 $0x1, s31;
	[sflag:s2] =	ssyncset.done @!p0 $0x0  }
0xb9: {  	p1 =	sne.s32 s31, s11;
	[sflag:s2] =	ssyncadd.s32 @!p0 $0xFFFFC000  }
.Ltmp2:
0xba: {  	s25 =	sor.u32 $0x1C05, s8;
	[bflag:$0x0] =	sbarrier.arrive $0xFFFF;
	(pc) =	sbr.rel @p1 .LBB2_1-.Ltmp2, $4  }
0xbb: {  	[hbm:s10], [sflag:s25] =	dma.local [spmem:s12], $0x2800  }
0xbc: {  	_ =	swait.ge [sflag:s15], $0x2800  }
0xbd: {  	[sflag:s15] =	ssyncset.done $0x0  }
0xbe: {  	[sflag:s15] =	ssyncadd.s32 $0xFFFFD800  }
0xbf: {  	_ =	sfence.sel $0x180000  }
0xc0: {  	[bflag:$0x0] =	sbarrier.arrive $0xFFFF  }
0xc1: {  	_ =	strace $0x90000047  }
0xc2: {  	s0 =	stileid.u32;
	[bflag:$0x2] =	sbarrier.arrive $0xFFFF  }
0xc3: {  	p0 =	sne.s32 s0, $0x0;
	s0 =	rddreg [dreg:$0x4]  }
0xc4: {  	s0 =	sadd.s32 @!p0 $0x100000, s0  }
0xc5: {  	[sflag:s0] =	ssyncadd.tile.s32 @!p0 $0x1;
	_ =	shalt  }
.Lfunc_end2:
_tile_overlayer_lowered:
.L_overlay_start_2:
0xc6: {  	(tag) =	ssettag $0x2  }
0xc7: {  	s0 =	rddreg [dreg:$0x0];
	s2 =	stileid.u32  }
0xc8: {  	s1 =	rddreg [dreg:$0x1];
	p0 =	sne.s32 s2, $0x0  }
0xc9: {  	s3 =	rddreg [dreg:$0x2];
	[bflag:$0x3] =	sbarrier.arrive $0xFFFF;
	s2 =	simm.s32 @!p0 $0x1C05  }
0xca: {  	[timem:s3], [sflag:s2] =	dma.local @!p0 [hbm:s0], s1  }
0xcb: {  	s0 =	simm.s32 @!p0 $0x5  }
0xcc: {  	_ =	swait.ge @!p0 [sflag:s0], s1  }
0xcd: {  	s1 =	ssub.s32 @!p0 $0x0, s1;
	[sflag:s0] =	ssyncset.done @!p0 $0x0  }
0xce: {  	[sflag:s0] =	ssyncadd.s32 @!p0 s1  }
0xcf: {  	[bflag:$0x3] =	sbarrier.arrive $0xFFFF  }
0xd0: {  	_ =	shalt  }

</sc_bundles>
